<compile_context>
chip_gen: v7x
topology: tpu7x:2x2x1
jax: 0.10.2.dev20260603
libtpu: 0.0.44.dev20260713+nightly
codegen_flags: <defaults>
</compile_context>

<pallas_src>
import jax
import jax.numpy as jnp
from jax import lax
from jax.experimental import pallas as pl
from jax.experimental.pallas import tpu as pltpu
from jax.experimental.pallas import tpu_sc as plsc

_F = 26
_N = 1000
_R = 16
_B = 16384
_L = 16
_G = _B // _L
_R2 = _R // 2
_NCHUNK = (_N + _L - 1) // _L


def _sc_body(x_hbm, y_hbm, scf_hbm, std_hbm, out_hbm,
             raw_v, pk_v, std_v, x_v, y_v, o_v):
    c = lax.axis_index("c")
    s = lax.axis_index("s")
    f = s * 2 + c

    @pl.when(f < _F)
    def _():
        pltpu.sync_copy(scf_hbm.at[f], raw_v)
        pltpu.sync_copy(std_hbm.at[f], std_v)
        pltpu.sync_copy(x_hbm.at[f], x_v)
        pltpu.sync_copy(y_hbm.at[f], y_v)

        @plsc.parallel_loop(0, _R2 * _NCHUNK, unroll=2)
        def _prep(i):
            j = i // _NCHUNK
            k = i % _NCHUNK
            off = jnp.minimum(k * _L, _N - _L)
            a = raw_v[pl.ds((2 * j) * _N + off, _L)]
            b = raw_v[pl.ds((2 * j + 1) * _N + off, _L)]
            packed = plsc.pack(a * a, b * b, format=plsc.PackFormat.INTERLEAVED)
            pk_v[pl.ds(j * _N + off, _L)] = plsc.bitcast(packed, jnp.float32)

        @plsc.parallel_loop(0, _G, unroll=4)
        def _group(g):
            base = g * _L
            xv = x_v[pl.ds(base, _L)]
            yv = y_v[pl.ds(base, _L)]
            acc = jnp.zeros((2 * _L,), jnp.bfloat16)
            for j in range(_R2):
                gx = plsc.load_gather(pk_v, [xv + j * _N])
                gy = plsc.load_gather(pk_v, [yv + j * _N])
                bx = plsc.bitcast(gx, jnp.bfloat16)
                by = plsc.bitcast(gy, jnp.bfloat16)
                acc = acc + bx * by
            pe, po = plsc.unpack(acc, format=plsc.PackFormat.INTERLEAVED)
            total = pe + po
            sx = plsc.load_gather(std_v, [xv])
            total = jnp.where(xv == yv, total + sx * sx, total)
            o_v[pl.ds(base, _L)] = total

        pltpu.sync_copy(o_v, out_hbm.at[f])


@jax.jit
def kernel(x, y, sqrt_covar_factor, std):
    xt = x.astype(jnp.int32).T
    yt = y.astype(jnp.int32).T
    scf_flat = sqrt_covar_factor.transpose(0, 2, 1).reshape(_F, _R * _N)
    mesh = plsc.VectorSubcoreMesh(core_axis_name="c", subcore_axis_name="s")
    out = pl.kernel(
        _sc_body,
        out_type=jax.ShapeDtypeStruct((_F, _B), jnp.float32),
        mesh=mesh,
        compiler_params=pltpu.CompilerParams(needs_layout_passes=False),
        scratch_types=[
            pltpu.VMEM((_R * _N,), jnp.float32),
            pltpu.VMEM((_R2 * _N,), jnp.float32),
            pltpu.VMEM((_N,), jnp.float32),
            pltpu.VMEM((_B,), jnp.int32),
            pltpu.VMEM((_B,), jnp.int32),
            pltpu.VMEM((_B,), jnp.float32),
        ],
    )(xt, yt, scf_flat, std)
    return out.T

# --- scband reference (transcript-rebuilt; emitter-appended) ---
"""Pipeline reference for scband-index-kernel-18021682774477 (READ-ONLY COPY).

The authoritative reference and input builder live on the scoring server;
editing this copy changes nothing except your own understanding.
"""

import jax, jax.numpy as jnp
import numpy as np

F = 26          # number of categorical fields
N = 1000        # nb_category per field
R = 16          # rank
B = 16384       # batch
FRACTION_DIAGONAL = 0.9


def setup_inputs(seed: int = 0) -> dict:
    key = jax.random.key(seed)
    kx, ky = jax.random.split(key, 2)
    x = jax.random.randint(kx, (B, F), 0, N, dtype=jnp.int64)
    y = jax.random.randint(ky, (B, F), 0, N, dtype=jnp.int64)
    w = np.sqrt((1.0 - FRACTION_DIAGONAL) / np.sqrt(R))
    sqrt_covar_factor = w * jnp.ones((F, N, R), dtype=jnp.float32)
    std = FRACTION_DIAGONAL * jnp.ones((F, N), dtype=jnp.float32)
    return {"x": x, "y": y, "sqrt_covar_factor": sqrt_covar_factor, "std": std}


def reference(x, y, sqrt_covar_factor, std):
    # IndexKernel.forward: per field, build covariance = (scf^2)(scf^2)^T + diag(std^2),
    # then gather covariance[x[:, i], y[:, i]]; stack over fields on last dim.
    covar_factor = sqrt_covar_factor * sqrt_covar_factor           # [F, N, R]
    covariance = jnp.einsum('fnr,fmr->fnm', covar_factor, covar_factor)  # [F, N, N]
    covariance = covariance + jax.vmap(jnp.diag)(std * std)        # add diag(std^2) per field
    f_idx = jnp.arange(covariance.shape[0])[None, :]                # [1, F]
    out = covariance[f_idx, x, y]                                   # [B, F]
    return out

if __name__ == "__main__":
    import jax
    _d = setup_inputs()
    print(jax.jit(kernel)(*tuple(_d.values())))

</pallas_src>

<mosaic_0001>
#map = affine_map<(d0, d1) -> (0, 0)>
module attributes {stable_mosaic.version = 14 : i64} {
  func.func @_sc_body(%arg0: i32, %arg1: i32, %arg2: memref<26x16384xi32, #tpu.memory_space<hbm>>, %arg3: memref<26x16384xi32, #tpu.memory_space<hbm>>, %arg4: memref<26x16000xf32, #tpu.memory_space<hbm>>, %arg5: memref<26x1000xf32, #tpu.memory_space<hbm>>, %arg6: memref<26x16384xf32, #tpu.memory_space<hbm>>, %arg7: memref<16000xf32, #tpu.memory_space<vmem>>, %arg8: memref<8000xf32, #tpu.memory_space<vmem>>, %arg9: memref<1000xf32, #tpu.memory_space<vmem>>, %arg10: memref<16384xi32, #tpu.memory_space<vmem>>, %arg11: memref<16384xi32, #tpu.memory_space<vmem>>, %arg12: memref<16384xf32, #tpu.memory_space<vmem>>) attributes {dimension_semantics = [#tpu.dimension_semantics<core_parallel>, #tpu.dimension_semantics<subcore_parallel>], iteration_bounds = array<i64: 2, 16>, scalar_prefetch = 0 : i64, scratch_operands = 6 : i64, tpu.core_type = #tpu.core_type<sc_vector_subcore>, window_params = [{transform_indices = #map}, {transform_indices = #map}, {transform_indices = #map}, {transform_indices = #map}, {transform_indices = #map}]} {
    %mul3A = arith.constant 2 : i32
    %mul3A_0 = arith.muli %arg1, %mul3A : i32
    %add3A = arith.addi %mul3A_0, %arg0 : i32
    %lt3A = arith.constant 26 : i32
    %lt3A_1 = arith.cmpi slt, %add3A, %lt3A : i32
    %convert_element_type3A = arith.extui %lt3A_1 : i1 to i32
    %cond3A = arith.constant 0 : i32
    %cond3A_2 = arith.cmpi ne, %convert_element_type3A, %cond3A : i32
    scf.if %cond3A_2 {
      "tpu.region"() ({
        %run_scoped3A = tpu.sem_alloc : memref<!tpu.dma_semaphore, #tpu.memory_space<semaphore_mem>>
        %dma_start3A = arith.constant 0 : i32
        %dma_start3A_8 = tpu.memref_slice %arg4[%add3A, %dma_start3A] : memref<26x16000xf32, #tpu.memory_space<hbm>> -> memref<1x16000xf32, #tpu.memory_space<hbm>>
        %dma_start3A_9 = tpu.memref_squeeze %dma_start3A_8 : memref<1x16000xf32, #tpu.memory_space<hbm>> -> memref<16000xf32, #tpu.memory_space<hbm>>
        %dma_start3A_10 = arith.constant 0 : i32
        %dma_start3A_11 = tpu.memref_slice %arg4[%add3A, %dma_start3A_10] : memref<26x16000xf32, #tpu.memory_space<hbm>> -> memref<1x16000xf32, #tpu.memory_space<hbm>>
        %dma_start3A_12 = tpu.memref_squeeze %dma_start3A_11 : memref<1x16000xf32, #tpu.memory_space<hbm>> -> memref<16000xf32, #tpu.memory_space<hbm>>
        tpu.enqueue_dma source(%dma_start3A_12 : memref<16000xf32, #tpu.memory_space<hbm>>) target(%arg7 : memref<16000xf32, #tpu.memory_space<vmem>>) target_semaphore(%run_scoped3A : memref<!tpu.dma_semaphore, #tpu.memory_space<semaphore_mem>>)
        %dma_wait3A = arith.constant 0 : i32
        %dma_wait3A_13 = tpu.memref_slice %arg4[%add3A, %dma_wait3A] : memref<26x16000xf32, #tpu.memory_space<hbm>> -> memref<1x16000xf32, #tpu.memory_space<hbm>>
        %dma_wait3A_14 = tpu.memref_squeeze %dma_wait3A_13 : memref<1x16000xf32, #tpu.memory_space<hbm>> -> memref<16000xf32, #tpu.memory_space<hbm>>
        %dma_wait3A_15 = arith.constant 0 : i32
        %dma_wait3A_16 = tpu.memref_slice %arg4[%add3A, %dma_wait3A_15] : memref<26x16000xf32, #tpu.memory_space<hbm>> -> memref<1x16000xf32, #tpu.memory_space<hbm>>
        %dma_wait3A_17 = tpu.memref_squeeze %dma_wait3A_16 : memref<1x16000xf32, #tpu.memory_space<hbm>> -> memref<16000xf32, #tpu.memory_space<hbm>>
        tpu.wait_dma2 semaphore(%run_scoped3A : memref<!tpu.dma_semaphore, #tpu.memory_space<semaphore_mem>>) src(%dma_wait3A_17 : memref<16000xf32, #tpu.memory_space<hbm>>) dst(%arg7 : memref<16000xf32, #tpu.memory_space<vmem>>)
        tpu.yield
      }) : () -> ()
      "tpu.region"() ({
        %run_scoped3A = tpu.sem_alloc : memref<!tpu.dma_semaphore, #tpu.memory_space<semaphore_mem>>
        %dma_start3A = arith.constant 0 : i32
        %dma_start3A_8 = tpu.memref_slice %arg5[%add3A, %dma_start3A] : memref<26x1000xf32, #tpu.memory_space<hbm>> -> memref<1x1000xf32, #tpu.memory_space<hbm>>
        %dma_start3A_9 = tpu.memref_squeeze %dma_start3A_8 : memref<1x1000xf32, #tpu.memory_space<hbm>> -> memref<1000xf32, #tpu.memory_space<hbm>>
        %dma_start3A_10 = arith.constant 0 : i32
        %dma_start3A_11 = tpu.memref_slice %arg5[%add3A, %dma_start3A_10] : memref<26x1000xf32, #tpu.memory_space<hbm>> -> memref<1x1000xf32, #tpu.memory_space<hbm>>
        %dma_start3A_12 = tpu.memref_squeeze %dma_start3A_11 : memref<1x1000xf32, #tpu.memory_space<hbm>> -> memref<1000xf32, #tpu.memory_space<hbm>>
        tpu.enqueue_dma source(%dma_start3A_12 : memref<1000xf32, #tpu.memory_space<hbm>>) target(%arg9 : memref<1000xf32, #tpu.memory_space<vmem>>) target_semaphore(%run_scoped3A : memref<!tpu.dma_semaphore, #tpu.memory_space<semaphore_mem>>)
        %dma_wait3A = arith.constant 0 : i32
        %dma_wait3A_13 = tpu.memref_slice %arg5[%add3A, %dma_wait3A] : memref<26x1000xf32, #tpu.memory_space<hbm>> -> memref<1x1000xf32, #tpu.memory_space<hbm>>
        %dma_wait3A_14 = tpu.memref_squeeze %dma_wait3A_13 : memref<1x1000xf32, #tpu.memory_space<hbm>> -> memref<1000xf32, #tpu.memory_space<hbm>>
        %dma_wait3A_15 = arith.constant 0 : i32
        %dma_wait3A_16 = tpu.memref_slice %arg5[%add3A, %dma_wait3A_15] : memref<26x1000xf32, #tpu.memory_space<hbm>> -> memref<1x1000xf32, #tpu.memory_space<hbm>>
        %dma_wait3A_17 = tpu.memref_squeeze %dma_wait3A_16 : memref<1x1000xf32, #tpu.memory_space<hbm>> -> memref<1000xf32, #tpu.memory_space<hbm>>
        tpu.wait_dma2 semaphore(%run_scoped3A : memref<!tpu.dma_semaphore, #tpu.memory_space<semaphore_mem>>) src(%dma_wait3A_17 : memref<1000xf32, #tpu.memory_space<hbm>>) dst(%arg9 : memref<1000xf32, #tpu.memory_space<vmem>>)
        tpu.yield
      }) : () -> ()
      "tpu.region"() ({
        %run_scoped3A = tpu.sem_alloc : memref<!tpu.dma_semaphore, #tpu.memory_space<semaphore_mem>>
        %dma_start3A = arith.constant 0 : i32
        %dma_start3A_8 = tpu.memref_slice %arg2[%add3A, %dma_start3A] : memref<26x16384xi32, #tpu.memory_space<hbm>> -> memref<1x16384xi32, #tpu.memory_space<hbm>>
        %dma_start3A_9 = tpu.memref_squeeze %dma_start3A_8 : memref<1x16384xi32, #tpu.memory_space<hbm>> -> memref<16384xi32, #tpu.memory_space<hbm>>
        %dma_start3A_10 = arith.constant 0 : i32
        %dma_start3A_11 = tpu.memref_slice %arg2[%add3A, %dma_start3A_10] : memref<26x16384xi32, #tpu.memory_space<hbm>> -> memref<1x16384xi32, #tpu.memory_space<hbm>>
        %dma_start3A_12 = tpu.memref_squeeze %dma_start3A_11 : memref<1x16384xi32, #tpu.memory_space<hbm>> -> memref<16384xi32, #tpu.memory_space<hbm>>
        tpu.enqueue_dma source(%dma_start3A_12 : memref<16384xi32, #tpu.memory_space<hbm>>) target(%arg10 : memref<16384xi32, #tpu.memory_space<vmem>>) target_semaphore(%run_scoped3A : memref<!tpu.dma_semaphore, #tpu.memory_space<semaphore_mem>>)
        %dma_wait3A = arith.constant 0 : i32
        %dma_wait3A_13 = tpu.memref_slice %arg2[%add3A, %dma_wait3A] : memref<26x16384xi32, #tpu.memory_space<hbm>> -> memref<1x16384xi32, #tpu.memory_space<hbm>>
        %dma_wait3A_14 = tpu.memref_squeeze %dma_wait3A_13 : memref<1x16384xi32, #tpu.memory_space<hbm>> -> memref<16384xi32, #tpu.memory_space<hbm>>
        %dma_wait3A_15 = arith.constant 0 : i32
        %dma_wait3A_16 = tpu.memref_slice %arg2[%add3A, %dma_wait3A_15] : memref<26x16384xi32, #tpu.memory_space<hbm>> -> memref<1x16384xi32, #tpu.memory_space<hbm>>
        %dma_wait3A_17 = tpu.memref_squeeze %dma_wait3A_16 : memref<1x16384xi32, #tpu.memory_space<hbm>> -> memref<16384xi32, #tpu.memory_space<hbm>>
        tpu.wait_dma2 semaphore(%run_scoped3A : memref<!tpu.dma_semaphore, #tpu.memory_space<semaphore_mem>>) src(%dma_wait3A_17 : memref<16384xi32, #tpu.memory_space<hbm>>) dst(%arg10 : memref<16384xi32, #tpu.memory_space<vmem>>)
        tpu.yield
      }) : () -> ()
      "tpu.region"() ({
        %run_scoped3A = tpu.sem_alloc : memref<!tpu.dma_semaphore, #tpu.memory_space<semaphore_mem>>
        %dma_start3A = arith.constant 0 : i32
        %dma_start3A_8 = tpu.memref_slice %arg3[%add3A, %dma_start3A] : memref<26x16384xi32, #tpu.memory_space<hbm>> -> memref<1x16384xi32, #tpu.memory_space<hbm>>
        %dma_start3A_9 = tpu.memref_squeeze %dma_start3A_8 : memref<1x16384xi32, #tpu.memory_space<hbm>> -> memref<16384xi32, #tpu.memory_space<hbm>>
        %dma_start3A_10 = arith.constant 0 : i32
        %dma_start3A_11 = tpu.memref_slice %arg3[%add3A, %dma_start3A_10] : memref<26x16384xi32, #tpu.memory_space<hbm>> -> memref<1x16384xi32, #tpu.memory_space<hbm>>
        %dma_start3A_12 = tpu.memref_squeeze %dma_start3A_11 : memref<1x16384xi32, #tpu.memory_space<hbm>> -> memref<16384xi32, #tpu.memory_space<hbm>>
        tpu.enqueue_dma source(%dma_start3A_12 : memref<16384xi32, #tpu.memory_space<hbm>>) target(%arg11 : memref<16384xi32, #tpu.memory_space<vmem>>) target_semaphore(%run_scoped3A : memref<!tpu.dma_semaphore, #tpu.memory_space<semaphore_mem>>)
        %dma_wait3A = arith.constant 0 : i32
        %dma_wait3A_13 = tpu.memref_slice %arg3[%add3A, %dma_wait3A] : memref<26x16384xi32, #tpu.memory_space<hbm>> -> memref<1x16384xi32, #tpu.memory_space<hbm>>
        %dma_wait3A_14 = tpu.memref_squeeze %dma_wait3A_13 : memref<1x16384xi32, #tpu.memory_space<hbm>> -> memref<16384xi32, #tpu.memory_space<hbm>>
        %dma_wait3A_15 = arith.constant 0 : i32
        %dma_wait3A_16 = tpu.memref_slice %arg3[%add3A, %dma_wait3A_15] : memref<26x16384xi32, #tpu.memory_space<hbm>> -> memref<1x16384xi32, #tpu.memory_space<hbm>>
        %dma_wait3A_17 = tpu.memref_squeeze %dma_wait3A_16 : memref<1x16384xi32, #tpu.memory_space<hbm>> -> memref<16384xi32, #tpu.memory_space<hbm>>
        tpu.wait_dma2 semaphore(%run_scoped3A : memref<!tpu.dma_semaphore, #tpu.memory_space<semaphore_mem>>) src(%dma_wait3A_17 : memref<16384xi32, #tpu.memory_space<hbm>>) dst(%arg11 : memref<16384xi32, #tpu.memory_space<vmem>>)
        tpu.yield
      }) : () -> ()
      %parallel_loop3A = arith.constant 0 : i32
      %parallel_loop3A_3 = arith.constant 504 : i32
      %parallel_loop3A_4 = arith.constant 1 : i32
      scf.for %parallel_loop3A_8 = %parallel_loop3A to %parallel_loop3A_3 step %parallel_loop3A_4  : i32 {
        %parallel_loop3A_9 = arith.constant 63 : i32
        %parallel_loop3A_10 = arith.divsi %parallel_loop3A_8, %parallel_loop3A_9 : i32
        %parallel_loop3A_11 = arith.constant 0 : i32
        %parallel_loop3A_12 = arith.cmpi sgt, %parallel_loop3A_8, %parallel_loop3A_11 : i32
        %parallel_loop3A_13 = arith.extui %parallel_loop3A_12 : i1 to i32
        %parallel_loop3A_14 = arith.constant 0 : i32
        %parallel_loop3A_15 = arith.cmpi slt, %parallel_loop3A_8, %parallel_loop3A_14 : i32
        %parallel_loop3A_16 = arith.extui %parallel_loop3A_15 : i1 to i32
        %parallel_loop3A_17 = arith.subi %parallel_loop3A_13, %parallel_loop3A_16 : i32
        %parallel_loop3A_18 = arith.constant 0 : i32
        %parallel_loop3A_19 = arith.cmpi sgt, %parallel_loop3A_9, %parallel_loop3A_18 : i32
        %parallel_loop3A_20 = arith.extui %parallel_loop3A_19 : i1 to i32
        %parallel_loop3A_21 = arith.constant 0 : i32
        %parallel_loop3A_22 = arith.cmpi slt, %parallel_loop3A_9, %parallel_loop3A_21 : i32
        %parallel_loop3A_23 = arith.extui %parallel_loop3A_22 : i1 to i32
        %parallel_loop3A_24 = arith.subi %parallel_loop3A_20, %parallel_loop3A_23 : i32
        %parallel_loop3A_25 = arith.cmpi ne, %parallel_loop3A_17, %parallel_loop3A_24 : i32
        %parallel_loop3A_26 = arith.remsi %parallel_loop3A_8, %parallel_loop3A_9 : i32
        %parallel_loop3A_27 = arith.constant 0 : i32
        %parallel_loop3A_28 = arith.cmpi ne, %parallel_loop3A_26, %parallel_loop3A_27 : i32
        %parallel_loop3A_29 = arith.andi %parallel_loop3A_25, %parallel_loop3A_28 : i1
        %parallel_loop3A_30 = arith.constant 1 : i32
        %parallel_loop3A_31 = arith.subi %parallel_loop3A_10, %parallel_loop3A_30 : i32
        %parallel_loop3A_32 = arith.select %parallel_loop3A_29, %parallel_loop3A_31, %parallel_loop3A_10 : i32
        %parallel_loop3A_33 = arith.constant 63 : i32
        %parallel_loop3A_34 = arith.constant 0 : i32
        %parallel_loop3A_35 = arith.cmpi eq, %parallel_loop3A_33, %parallel_loop3A_34 : i32
        %parallel_loop3A_36 = arith.constant 1 : i32
        %parallel_loop3A_37 = arith.select %parallel_loop3A_35, %parallel_loop3A_36, %parallel_loop3A_33 : i32
        %parallel_loop3A_38 = arith.remsi %parallel_loop3A_8, %parallel_loop3A_37 : i32
        %parallel_loop3A_39 = arith.constant 0 : i32
        %parallel_loop3A_40 = arith.cmpi ne, %parallel_loop3A_38, %parallel_loop3A_39 : i32
        %parallel_loop3A_41 = arith.constant 0 : i32
        %parallel_loop3A_42 = arith.cmpi slt, %parallel_loop3A_38, %parallel_loop3A_41 : i32
        %parallel_loop3A_43 = arith.constant 0 : i32
        %parallel_loop3A_44 = arith.cmpi slt, %parallel_loop3A_37, %parallel_loop3A_43 : i32
        %parallel_loop3A_45 = arith.xori %parallel_loop3A_42, %parallel_loop3A_44 : i1
        %parallel_loop3A_46 = arith.andi %parallel_loop3A_45, %parallel_loop3A_40 : i1
        %parallel_loop3A_47 = arith.addi %parallel_loop3A_38, %parallel_loop3A_37 : i32
        %parallel_loop3A_48 = arith.select %parallel_loop3A_46, %parallel_loop3A_47, %parallel_loop3A_38 : i32
        %parallel_loop3A_49 = arith.constant 16 : i32
        %parallel_loop3A_50 = arith.muli %parallel_loop3A_48, %parallel_loop3A_49 : i32
        %parallel_loop3A_51 = arith.constant 984 : i32
        %parallel_loop3A_52 = arith.minsi %parallel_loop3A_50, %parallel_loop3A_51 : i32
        %parallel_loop3A_53 = arith.constant 2 : i32
        %parallel_loop3A_54 = arith.muli %parallel_loop3A_53, %parallel_loop3A_32 : i32
        %parallel_loop3A_55 = arith.constant 1000 : i32
        %parallel_loop3A_56 = arith.muli %parallel_loop3A_54, %parallel_loop3A_55 : i32
        %parallel_loop3A_57 = arith.addi %parallel_loop3A_56, %parallel_loop3A_52 : i32
        %parallel_loop3A_58 = arith.index_cast %parallel_loop3A_57 : i32 to index
        %parallel_loop3A_59 = tpu.vector_load %arg7[%parallel_loop3A_58] {strides = array<i32>} : memref<16000xf32, #tpu.memory_space<vmem>>, vector<16xf32>,
        %parallel_loop3A_60 = arith.constant 2 : i32
        %parallel_loop3A_61 = arith.muli %parallel_loop3A_60, %parallel_loop3A_32 : i32
        %parallel_loop3A_62 = arith.constant 1 : i32
        %parallel_loop3A_63 = arith.addi %parallel_loop3A_61, %parallel_loop3A_62 : i32
        %parallel_loop3A_64 = arith.constant 1000 : i32
        %parallel_loop3A_65 = arith.muli %parallel_loop3A_63, %parallel_loop3A_64 : i32
        %parallel_loop3A_66 = arith.addi %parallel_loop3A_65, %parallel_loop3A_52 : i32
        %parallel_loop3A_67 = arith.index_cast %parallel_loop3A_66 : i32 to index
        %parallel_loop3A_68 = tpu.vector_load %arg7[%parallel_loop3A_67] {strides = array<i32>} : memref<16000xf32, #tpu.memory_space<vmem>>, vector<16xf32>,
        %parallel_loop3A_69 = arith.mulf %parallel_loop3A_59, %parallel_loop3A_59 : vector<16xf32>
        %parallel_loop3A_70 = arith.mulf %parallel_loop3A_68, %parallel_loop3A_68 : vector<16xf32>
        %parallel_loop3A_71 = tpu.pack_subelements %parallel_loop3A_69, %parallel_loop3A_70 {pack_format = #tpu.pack_format<interleaved>, positions = array<i32: 0, 1>} : vector<16xf32>, vector<16xf32> -> vector<32xbf16>
        %parallel_loop3A_72 = vector.bitcast %parallel_loop3A_71 : vector<32xbf16> to vector<16xf32>
        %parallel_loop3A_73 = arith.constant 1000 : i32
        %parallel_loop3A_74 = arith.muli %parallel_loop3A_32, %parallel_loop3A_73 : i32
        %parallel_loop3A_75 = arith.addi %parallel_loop3A_74, %parallel_loop3A_52 : i32
        %parallel_loop3A_76 = arith.index_cast %parallel_loop3A_75 : i32 to index
        %parallel_loop3A_77 = tpu.vector_load %arg8[%parallel_loop3A_76] {strides = array<i32>} : memref<8000xf32, #tpu.memory_space<vmem>>, vector<16xf32>,
        tpu.vector_store %arg8[%parallel_loop3A_76], %parallel_loop3A_72 {strides = array<i32>} : memref<8000xf32, #tpu.memory_space<vmem>>, vector<16xf32>,
      } {sc.loop_unroll_factor = 2 : i64, sc.parallel_access}
      %parallel_loop3A_5 = arith.constant 0 : i32
      %parallel_loop3A_6 = arith.constant 1024 : i32
      %parallel_loop3A_7 = arith.constant 1 : i32
      scf.for %parallel_loop3A_8 = %parallel_loop3A_5 to %parallel_loop3A_6 step %parallel_loop3A_7  : i32 {
        %parallel_loop3A_9 = arith.constant 16 : i32
        %parallel_loop3A_10 = arith.muli %parallel_loop3A_8, %parallel_loop3A_9 : i32
        %parallel_loop3A_11 = arith.index_cast %parallel_loop3A_10 : i32 to index
        %parallel_loop3A_12 = tpu.vector_load %arg10[%parallel_loop3A_11] {strides = array<i32>} : memref<16384xi32, #tpu.memory_space<vmem>>, vector<16xi32>,
        %parallel_loop3A_13 = arith.index_cast %parallel_loop3A_10 : i32 to index
        %parallel_loop3A_14 = tpu.vector_load %arg11[%parallel_loop3A_13] {strides = array<i32>} : memref<16384xi32, #tpu.memory_space<vmem>>, vector<16xi32>,
        %parallel_loop3A_15 = arith.constant 0.000000e+00 : bf16
        %parallel_loop3A_16 = vector.broadcast %parallel_loop3A_15 : bf16 to vector<32xbf16>
        %parallel_loop3A_17 = arith.constant 0 : i32
        %parallel_loop3A_18 = vector.broadcast %parallel_loop3A_17 : i32 to vector<16xi32>
        %parallel_loop3A_19 = arith.addi %parallel_loop3A_12, %parallel_loop3A_18 : vector<16xi32>
        %parallel_loop3A_20 = tpu.vector_load_idx %arg8[%parallel_loop3A_19] : memref<8000xf32, #tpu.memory_space<vmem>>[vector<16xi32>], vector<16xf32>,
        %parallel_loop3A_21 = arith.constant 0 : i32
        %parallel_loop3A_22 = vector.broadcast %parallel_loop3A_21 : i32 to vector<16xi32>
        %parallel_loop3A_23 = arith.addi %parallel_loop3A_14, %parallel_loop3A_22 : vector<16xi32>
        %parallel_loop3A_24 = tpu.vector_load_idx %arg8[%parallel_loop3A_23] : memref<8000xf32, #tpu.memory_space<vmem>>[vector<16xi32>], vector<16xf32>,
        %parallel_loop3A_25 = vector.bitcast %parallel_loop3A_20 : vector<16xf32> to vector<32xbf16>
        %parallel_loop3A_26 = vector.bitcast %parallel_loop3A_24 : vector<16xf32> to vector<32xbf16>
        %parallel_loop3A_27 = arith.mulf %parallel_loop3A_25, %parallel_loop3A_26 : vector<32xbf16>
        %parallel_loop3A_28 = arith.addf %parallel_loop3A_16, %parallel_loop3A_27 : vector<32xbf16>
        %parallel_loop3A_29 = arith.constant 1000 : i32
        %parallel_loop3A_30 = vector.broadcast %parallel_loop3A_29 : i32 to vector<16xi32>
        %parallel_loop3A_31 = arith.addi %parallel_loop3A_12, %parallel_loop3A_30 : vector<16xi32>
        %parallel_loop3A_32 = tpu.vector_load_idx %arg8[%parallel_loop3A_31] : memref<8000xf32, #tpu.memory_space<vmem>>[vector<16xi32>], vector<16xf32>,
        %parallel_loop3A_33 = arith.constant 1000 : i32
        %parallel_loop3A_34 = vector.broadcast %parallel_loop3A_33 : i32 to vector<16xi32>
        %parallel_loop3A_35 = arith.addi %parallel_loop3A_14, %parallel_loop3A_34 : vector<16xi32>
        %parallel_loop3A_36 = tpu.vector_load_idx %arg8[%parallel_loop3A_35] : memref<8000xf32, #tpu.memory_space<vmem>>[vector<16xi32>], vector<16xf32>,
        %parallel_loop3A_37 = vector.bitcast %parallel_loop3A_32 : vector<16xf32> to vector<32xbf16>
        %parallel_loop3A_38 = vector.bitcast %parallel_loop3A_36 : vector<16xf32> to vector<32xbf16>
        %parallel_loop3A_39 = arith.mulf %parallel_loop3A_37, %parallel_loop3A_38 : vector<32xbf16>
        %parallel_loop3A_40 = arith.addf %parallel_loop3A_28, %parallel_loop3A_39 : vector<32xbf16>
        %parallel_loop3A_41 = arith.constant 2000 : i32
        %parallel_loop3A_42 = vector.broadcast %parallel_loop3A_41 : i32 to vector<16xi32>
        %parallel_loop3A_43 = arith.addi %parallel_loop3A_12, %parallel_loop3A_42 : vector<16xi32>
        %parallel_loop3A_44 = tpu.vector_load_idx %arg8[%parallel_loop3A_43] : memref<8000xf32, #tpu.memory_space<vmem>>[vector<16xi32>], vector<16xf32>,
        %parallel_loop3A_45 = arith.constant 2000 : i32
        %parallel_loop3A_46 = vector.broadcast %parallel_loop3A_45 : i32 to vector<16xi32>
        %parallel_loop3A_47 = arith.addi %parallel_loop3A_14, %parallel_loop3A_46 : vector<16xi32>
        %parallel_loop3A_48 = tpu.vector_load_idx %arg8[%parallel_loop3A_47] : memref<8000xf32, #tpu.memory_space<vmem>>[vector<16xi32>], vector<16xf32>,
        %parallel_loop3A_49 = vector.bitcast %parallel_loop3A_44 : vector<16xf32> to vector<32xbf16>
        %parallel_loop3A_50 = vector.bitcast %parallel_loop3A_48 : vector<16xf32> to vector<32xbf16>
        %parallel_loop3A_51 = arith.mulf %parallel_loop3A_49, %parallel_loop3A_50 : vector<32xbf16>
        %parallel_loop3A_52 = arith.addf %parallel_loop3A_40, %parallel_loop3A_51 : vector<32xbf16>
        %parallel_loop3A_53 = arith.constant 3000 : i32
        %parallel_loop3A_54 = vector.broadcast %parallel_loop3A_53 : i32 to vector<16xi32>
        %parallel_loop3A_55 = arith.addi %parallel_loop3A_12, %parallel_loop3A_54 : vector<16xi32>
        %parallel_loop3A_56 = tpu.vector_load_idx %arg8[%parallel_loop3A_55] : memref<8000xf32, #tpu.memory_space<vmem>>[vector<16xi32>], vector<16xf32>,
        %parallel_loop3A_57 = arith.constant 3000 : i32
        %parallel_loop3A_58 = vector.broadcast %parallel_loop3A_57 : i32 to vector<16xi32>
        %parallel_loop3A_59 = arith.addi %parallel_loop3A_14, %parallel_loop3A_58 : vector<16xi32>
        %parallel_loop3A_60 = tpu.vector_load_idx %arg8[%parallel_loop3A_59] : memref<8000xf32, #tpu.memory_space<vmem>>[vector<16xi32>], vector<16xf32>,
        %parallel_loop3A_61 = vector.bitcast %parallel_loop3A_56 : vector<16xf32> to vector<32xbf16>
        %parallel_loop3A_62 = vector.bitcast %parallel_loop3A_60 : vector<16xf32> to vector<32xbf16>
        %parallel_loop3A_63 = arith.mulf %parallel_loop3A_61, %parallel_loop3A_62 : vector<32xbf16>
        %parallel_loop3A_64 = arith.addf %parallel_loop3A_52, %parallel_loop3A_63 : vector<32xbf16>
        %parallel_loop3A_65 = arith.constant 4000 : i32
        %parallel_loop3A_66 = vector.broadcast %parallel_loop3A_65 : i32 to vector<16xi32>
        %parallel_loop3A_67 = arith.addi %parallel_loop3A_12, %parallel_loop3A_66 : vector<16xi32>
        %parallel_loop3A_68 = tpu.vector_load_idx %arg8[%parallel_loop3A_67] : memref<8000xf32, #tpu.memory_space<vmem>>[vector<16xi32>], vector<16xf32>,
        %parallel_loop3A_69 = arith.constant 4000 : i32
        %parallel_loop3A_70 = vector.broadcast %parallel_loop3A_69 : i32 to vector<16xi32>
        %parallel_loop3A_71 = arith.addi %parallel_loop3A_14, %parallel_loop3A_70 : vector<16xi32>
        %parallel_loop3A_72 = tpu.vector_load_idx %arg8[%parallel_loop3A_71] : memref<8000xf32, #tpu.memory_space<vmem>>[vector<16xi32>], vector<16xf32>,
        %parallel_loop3A_73 = vector.bitcast %parallel_loop3A_68 : vector<16xf32> to vector<32xbf16>
        %parallel_loop3A_74 = vector.bitcast %parallel_loop3A_72 : vector<16xf32> to vector<32xbf16>
        %parallel_loop3A_75 = arith.mulf %parallel_loop3A_73, %parallel_loop3A_74 : vector<32xbf16>
        %parallel_loop3A_76 = arith.addf %parallel_loop3A_64, %parallel_loop3A_75 : vector<32xbf16>
        %parallel_loop3A_77 = arith.constant 5000 : i32
        %parallel_loop3A_78 = vector.broadcast %parallel_loop3A_77 : i32 to vector<16xi32>
        %parallel_loop3A_79 = arith.addi %parallel_loop3A_12, %parallel_loop3A_78 : vector<16xi32>
        %parallel_loop3A_80 = tpu.vector_load_idx %arg8[%parallel_loop3A_79] : memref<8000xf32, #tpu.memory_space<vmem>>[vector<16xi32>], vector<16xf32>,
        %parallel_loop3A_81 = arith.constant 5000 : i32
        %parallel_loop3A_82 = vector.broadcast %parallel_loop3A_81 : i32 to vector<16xi32>
        %parallel_loop3A_83 = arith.addi %parallel_loop3A_14, %parallel_loop3A_82 : vector<16xi32>
        %parallel_loop3A_84 = tpu.vector_load_idx %arg8[%parallel_loop3A_83] : memref<8000xf32, #tpu.memory_space<vmem>>[vector<16xi32>], vector<16xf32>,
        %parallel_loop3A_85 = vector.bitcast %parallel_loop3A_80 : vector<16xf32> to vector<32xbf16>
        %parallel_loop3A_86 = vector.bitcast %parallel_loop3A_84 : vector<16xf32> to vector<32xbf16>
        %parallel_loop3A_87 = arith.mulf %parallel_loop3A_85, %parallel_loop3A_86 : vector<32xbf16>
        %parallel_loop3A_88 = arith.addf %parallel_loop3A_76, %parallel_loop3A_87 : vector<32xbf16>
        %parallel_loop3A_89 = arith.constant 6000 : i32
        %parallel_loop3A_90 = vector.broadcast %parallel_loop3A_89 : i32 to vector<16xi32>
        %parallel_loop3A_91 = arith.addi %parallel_loop3A_12, %parallel_loop3A_90 : vector<16xi32>
        %parallel_loop3A_92 = tpu.vector_load_idx %arg8[%parallel_loop3A_91] : memref<8000xf32, #tpu.memory_space<vmem>>[vector<16xi32>], vector<16xf32>,
        %parallel_loop3A_93 = arith.constant 6000 : i32
        %parallel_loop3A_94 = vector.broadcast %parallel_loop3A_93 : i32 to vector<16xi32>
        %parallel_loop3A_95 = arith.addi %parallel_loop3A_14, %parallel_loop3A_94 : vector<16xi32>
        %parallel_loop3A_96 = tpu.vector_load_idx %arg8[%parallel_loop3A_95] : memref<8000xf32, #tpu.memory_space<vmem>>[vector<16xi32>], vector<16xf32>,
        %parallel_loop3A_97 = vector.bitcast %parallel_loop3A_92 : vector<16xf32> to vector<32xbf16>
        %parallel_loop3A_98 = vector.bitcast %parallel_loop3A_96 : vector<16xf32> to vector<32xbf16>
        %parallel_loop3A_99 = arith.mulf %parallel_loop3A_97, %parallel_loop3A_98 : vector<32xbf16>
        %parallel_loop3A_100 = arith.addf %parallel_loop3A_88, %parallel_loop3A_99 : vector<32xbf16>
        %parallel_loop3A_101 = arith.constant 7000 : i32
        %parallel_loop3A_102 = vector.broadcast %parallel_loop3A_101 : i32 to vector<16xi32>
        %parallel_loop3A_103 = arith.addi %parallel_loop3A_12, %parallel_loop3A_102 : vector<16xi32>
        %parallel_loop3A_104 = tpu.vector_load_idx %arg8[%parallel_loop3A_103] : memref<8000xf32, #tpu.memory_space<vmem>>[vector<16xi32>], vector<16xf32>,
        %parallel_loop3A_105 = arith.constant 7000 : i32
        %parallel_loop3A_106 = vector.broadcast %parallel_loop3A_105 : i32 to vector<16xi32>
        %parallel_loop3A_107 = arith.addi %parallel_loop3A_14, %parallel_loop3A_106 : vector<16xi32>
        %parallel_loop3A_108 = tpu.vector_load_idx %arg8[%parallel_loop3A_107] : memref<8000xf32, #tpu.memory_space<vmem>>[vector<16xi32>], vector<16xf32>,
        %parallel_loop3A_109 = vector.bitcast %parallel_loop3A_104 : vector<16xf32> to vector<32xbf16>
        %parallel_loop3A_110 = vector.bitcast %parallel_loop3A_108 : vector<16xf32> to vector<32xbf16>
        %parallel_loop3A_111 = arith.mulf %parallel_loop3A_109, %parallel_loop3A_110 : vector<32xbf16>
        %parallel_loop3A_112 = arith.addf %parallel_loop3A_100, %parallel_loop3A_111 : vector<32xbf16>
        %parallel_loop3A_113 = tpu.unpack_subelements %parallel_loop3A_112, 0 {pack_format = #tpu.pack_format<interleaved>} : vector<32xbf16> -> vector<16xf32>
        %parallel_loop3A_114 = tpu.unpack_subelements %parallel_loop3A_112, 1 {pack_format = #tpu.pack_format<interleaved>} : vector<32xbf16> -> vector<16xf32>
        %parallel_loop3A_115 = arith.addf %parallel_loop3A_113, %parallel_loop3A_114 : vector<16xf32>
        %parallel_loop3A_116 = tpu.vector_load_idx %arg9[%parallel_loop3A_12] : memref<1000xf32, #tpu.memory_space<vmem>>[vector<16xi32>], vector<16xf32>,
        %parallel_loop3A_117 = arith.cmpi eq, %parallel_loop3A_12, %parallel_loop3A_14 : vector<16xi32>
        %parallel_loop3A_118 = arith.mulf %parallel_loop3A_116, %parallel_loop3A_116 : vector<16xf32>
        %parallel_loop3A_119 = arith.addf %parallel_loop3A_115, %parallel_loop3A_118 : vector<16xf32>
        %parallel_loop3A_120 = arith.select %parallel_loop3A_117, %parallel_loop3A_119, %parallel_loop3A_115 : vector<16xi1>, vector<16xf32>
        %parallel_loop3A_121 = arith.index_cast %parallel_loop3A_10 : i32 to index
        %parallel_loop3A_122 = tpu.vector_load %arg12[%parallel_loop3A_121] {strides = array<i32>} : memref<16384xf32, #tpu.memory_space<vmem>>, vector<16xf32>,
        tpu.vector_store %arg12[%parallel_loop3A_121], %parallel_loop3A_120 {strides = array<i32>} : memref<16384xf32, #tpu.memory_space<vmem>>, vector<16xf32>,
      } {sc.loop_unroll_factor = 4 : i64, sc.parallel_access}
      "tpu.region"() ({
        %run_scoped3A = tpu.sem_alloc : memref<!tpu.dma_semaphore, #tpu.memory_space<semaphore_mem>>
        %dma_start3A = arith.constant 0 : i32
        %dma_start3A_8 = tpu.memref_slice %arg6[%add3A, %dma_start3A] : memref<26x16384xf32, #tpu.memory_space<hbm>> -> memref<1x16384xf32, #tpu.memory_space<hbm>>
        %dma_start3A_9 = tpu.memref_squeeze %dma_start3A_8 : memref<1x16384xf32, #tpu.memory_space<hbm>> -> memref<16384xf32, #tpu.memory_space<hbm>>
        %dma_start3A_10 = arith.constant 0 : i32
        %dma_start3A_11 = tpu.memref_slice %arg6[%add3A, %dma_start3A_10] : memref<26x16384xf32, #tpu.memory_space<hbm>> -> memref<1x16384xf32, #tpu.memory_space<hbm>>
        %dma_start3A_12 = tpu.memref_squeeze %dma_start3A_11 : memref<1x16384xf32, #tpu.memory_space<hbm>> -> memref<16384xf32, #tpu.memory_space<hbm>>
        tpu.enqueue_dma source(%arg12 : memref<16384xf32, #tpu.memory_space<vmem>>) target(%dma_start3A_12 : memref<16384xf32, #tpu.memory_space<hbm>>) target_semaphore(%run_scoped3A : memref<!tpu.dma_semaphore, #tpu.memory_space<semaphore_mem>>)
        %dma_wait3A = arith.constant 0 : i32
        %dma_wait3A_13 = tpu.memref_slice %arg6[%add3A, %dma_wait3A] : memref<26x16384xf32, #tpu.memory_space<hbm>> -> memref<1x16384xf32, #tpu.memory_space<hbm>>
        %dma_wait3A_14 = tpu.memref_squeeze %dma_wait3A_13 : memref<1x16384xf32, #tpu.memory_space<hbm>> -> memref<16384xf32, #tpu.memory_space<hbm>>
        %dma_wait3A_15 = arith.constant 0 : i32
        %dma_wait3A_16 = tpu.memref_slice %arg6[%add3A, %dma_wait3A_15] : memref<26x16384xf32, #tpu.memory_space<hbm>> -> memref<1x16384xf32, #tpu.memory_space<hbm>>
        %dma_wait3A_17 = tpu.memref_squeeze %dma_wait3A_16 : memref<1x16384xf32, #tpu.memory_space<hbm>> -> memref<16384xf32, #tpu.memory_space<hbm>>
        tpu.wait_dma2 semaphore(%run_scoped3A : memref<!tpu.dma_semaphore, #tpu.memory_space<semaphore_mem>>) src(%arg12 : memref<16384xf32, #tpu.memory_space<vmem>>) dst(%dma_wait3A_17 : memref<16384xf32, #tpu.memory_space<hbm>>)
        tpu.yield
      }) : () -> ()
    } else {
    }
    return
  }
}

</mosaic_0001>

<sc_bundles>
// kernel: kernel.3.cloned.1.call-start
scs
__scs_entry_jumppad:
0x0: {  	(pc) =	sbr.rel $0x88, $3  }
0x1: {  	(tag) =	ssettag $0x0;
	lr =	simm.s32 $0x1  }
0x2: {  	[smem:$0x3F9D] =	sst lr;
	_ =	strace $0xD0000000  }
0x3: {  	_ = 	snop  }
0x4: {  	_ = 	snop  }
0x5: {  	_ = 	snop  }
0x6: {  	_ = 	snop  }
0x7: {  	_ = 	snop  }
__scs_overlays_trampoline_lowered:
0x8: {  	[smem:$0x3FAC] =	sst s0  }
0x9: {  	[smem:$0x3FAD] =	sst s1  }
0xa: {  	[smem:$0x3FAE] =	sst s2  }
0xb: {  	[smem:$0x3FAF] =	sst s3  }
0xc: {  	[smem:$0x3FB0] =	sst s4  }
0xd: {  	[smem:$0x3FB1] =	sst s5  }
0xe: {  	[smem:$0x3FB2] =	sst s6  }
0xf: {  	[smem:$0x3FB3] =	sst s7  }
0x10: {  	[smem:$0x3FB4] =	sst s8  }
0x11: {  	[smem:$0x3FB5] =	sst s9;
	s0 =	simm.s32 @!p0 $0x0  }
0x12: {  	s1 =	sld [smem:$0x3F9B];
	s0 =	simm.s32 @p0 $0x1  }
0x13: {  	[smem:$0x3FB6] =	sst s0;
	s0 =	simm.s32 @!p1 $0x0  }
0x14: {  	s2 =	sld [smem:$0x3F9A];
	s0 =	simm.s32 @p1 $0x1  }
0x15: {  	[smem:$0x3FB7] =	sst s0;
	s0 =	simm.s32 @!p2 $0x0  }
0x16: {  	s3 =	sld [smem:$0x3FDB];
	s0 =	simm.s32 @p2 $0x1  }
0x17: {  	s4 =	simm.s32 $0x1BF5;
	[smem:$0x3FB9] =	sst s0  }
0x18: {  	s0 =	sld [smem:$0x3F9C];
	_ =	swait.ge [sflag:s4], $0x0  }
0x19: {  	s7 =	sld [smem:$0x3F9D]  }
0x1a: {  	s8 =	sadd.s32 $0xFFFFE003, lr  }
0x1b: {  	s9 =	sadd.s32 $0xFFFFFEF7, lr;
	s5 =	simm.s32 $0xFFFFFFFF;
	p2 =	slt.u32 s8, $0xFFFFF086  }
0x1c: {  	p1 =	slt.u32 s9, $0xF7A;
	s5 =	simm.s32 @!p2 $0x0  }
0x1d: {  	s5 =	simm.s32 @p1 $0x1;
	p0 =	seq.s32 s7, s2  }
0x1e: {  	s7 =	smul.u32 @!p0 $0xF7A, s2;
	p2 =	seq.s32 @!p0 s5, $0x0  }
0x1f: {  	s9 =	smul.u32 $0xF7A, s1;
	s8 =	simm.s32 @!p0 $0x1BF5;
	p2 =	por !p2, p0  }
0x20: {  	[sflag:s8] =	ssyncset.s32 @!p0 $0xFFFFF086;
	s6 =	sadd.s32 @!p0 s3, s7;
	s7 =	simm.s32 @!p0 $0x108  }
0x21: {  	s3 =	sadd.s32 s3, s9;
	s6 =	sadd.s32 @!p0 $0x88, s6;
	s7 =	simm.s32 @p2 $0x1082  }
0x22: {  	[simem:s7], [sflag:s8] =	dma.local @!p0 [hbm:s6], $0xF7A  }
0x23: {  	s9 =	sor.u32 $0xD0000000, s2;
	s6 =	simm.s32 $0x108;
	_ =	swait.ge @!p0 [sflag:s8], $0x0  }
0x24: {  	s3 =	sadd.s32 $0x88, s3;
	s6 =	simm.s32 @!p1 $0x1082;
	[sflag:s4] =	ssyncset.s32 $0xFFFFF086  }
0x25: {  	[simem:s6], [sflag:s4] =	dma.local [hbm:s3], $0xF7A  }
0x26: {  	[smem:$0x3F9D] =	sst s1;
	(tag) =	ssettag s2;
	_ =	strace s9  }
0x27: {  	s1 =	sld [smem:$0x3FAD]  }
0x28: {  	s2 =	sld [smem:$0x3FAE]  }
0x29: {  	s4 =	sld [smem:$0x3FB0]  }
0x2a: {  	p0 =	seq.s32 s5, $0x0;
	s5 =	sld [smem:$0x3FB1]  }
0x2b: {  	s6 =	sld [smem:$0x3FB2]  }
0x2c: {  	s7 =	sld [smem:$0x3FB3]  }
0x2d: {  	s3 =	simm.s32 $0x108;
	s8 =	sld [smem:$0x3FB4]  }
0x2e: {  	s3 =	simm.s32 @!p0 $0x1082;
	s9 =	sld [smem:$0x3FB5]  }
0x2f: {  	lr =	sadd.s32 s0, s3;
	s0 =	sld [smem:$0x3FAC]  }
0x30: {  	s3 =	sld [smem:$0x3FAF]  }
0x31: {  	[smem:$0x3FB8] =	sst s10  }
0x32: {  	s10 =	sld [smem:$0x3FB6];
	_ =	sdelay $0x3  }
0x33: {  	p0 =	seq.s32 s10, $0x1;
	s10 =	sld [smem:$0x3FB8];
	_ =	sdelay $0x3  }
0x34: {  	[smem:$0x3FB8] =	sst s10  }
0x35: {  	s10 =	sld [smem:$0x3FB7];
	_ =	sdelay $0x3  }
0x36: {  	p1 =	seq.s32 s10, $0x1;
	s10 =	sld [smem:$0x3FB8];
	_ =	sdelay $0x3  }
0x37: {  	[smem:$0x3FB8] =	sst s10  }
0x38: {  	s10 =	sld [smem:$0x3FB9]  }
0x39: {  	_ = 	snop;
	(pc) =	sbr.ind lr, $3  }
0x3a: {  	_ = 	snop  }
0x3b: {  	_ = 	snop  }
0x3c: {  	p2 =	seq.s32 s10, $0x1;
	s10 =	sld [smem:$0x3FB8]  }
0x3d: {  	_ =	shalt  }
0x3e: {  	_ =	shalt  }
0x3f: {  	_ =	shalt  }
0x40: {  	_ =	shalt  }
0x41: {  	_ =	shalt  }
0x42: {  	_ =	shalt  }
0x43: {  	_ =	shalt  }
0x44: {  	_ =	shalt  }
0x45: {  	_ =	shalt  }
0x46: {  	_ =	shalt  }
0x47: {  	_ =	shalt  }
0x48: {  	_ =	shalt  }
0x49: {  	_ =	shalt  }
0x4a: {  	_ =	shalt  }
0x4b: {  	_ =	shalt  }
0x4c: {  	_ =	shalt  }
0x4d: {  	_ =	shalt  }
0x4e: {  	_ =	shalt  }
0x4f: {  	_ =	shalt  }
0x50: {  	_ =	shalt  }
0x51: {  	_ =	shalt  }
0x52: {  	_ =	shalt  }
0x53: {  	_ =	shalt  }
0x54: {  	_ =	shalt  }
0x55: {  	_ =	shalt  }
0x56: {  	_ =	shalt  }
0x57: {  	_ =	shalt  }
0x58: {  	_ =	shalt  }
0x59: {  	_ =	shalt  }
0x5a: {  	_ =	shalt  }
0x5b: {  	_ =	shalt  }
0x5c: {  	_ =	shalt  }
0x5d: {  	_ =	shalt  }
0x5e: {  	_ =	shalt  }
0x5f: {  	_ =	shalt  }
0x60: {  	_ =	shalt  }
0x61: {  	_ =	shalt  }
0x62: {  	_ =	shalt  }
0x63: {  	_ =	shalt  }
0x64: {  	_ =	shalt  }
0x65: {  	_ =	shalt  }
0x66: {  	_ =	shalt  }
0x67: {  	_ =	shalt  }
0x68: {  	_ =	shalt  }
0x69: {  	_ =	shalt  }
0x6a: {  	_ =	shalt  }
0x6b: {  	_ =	shalt  }
0x6c: {  	_ =	shalt  }
0x6d: {  	_ =	shalt  }
0x6e: {  	_ =	shalt  }
0x6f: {  	_ =	shalt  }
0x70: {  	_ =	shalt  }
0x71: {  	_ =	shalt  }
0x72: {  	_ =	shalt  }
0x73: {  	_ =	shalt  }
0x74: {  	_ =	shalt  }
0x75: {  	_ =	shalt  }
0x76: {  	_ =	shalt  }
0x77: {  	_ =	shalt  }
0x78: {  	_ =	shalt  }
0x79: {  	_ =	shalt  }
0x7a: {  	_ =	shalt  }
0x7b: {  	_ =	shalt  }
0x7c: {  	_ =	shalt  }
0x7d: {  	_ =	shalt  }
0x7e: {  	_ =	shalt  }
0x7f: {  	_ =	shalt  }
0x80: {  	_ =	shalt  }
0x81: {  	_ =	shalt  }
0x82: {  	_ =	shalt  }
0x83: {  	_ =	shalt  }
0x84: {  	_ =	shalt  }
0x85: {  	_ =	shalt  }
0x86: {  	_ =	shalt  }
0x87: {  	_ =	shalt  }
.Lfunc_end0:
.L_simem_size_0:
called_computation_lowered:
.L_overlay_start_0:
0x88: {  	s2 =	sld [smem:$0x3FD9]  }
0x89: {  	s3 =	sld [smem:$0x3FFE];
	_ =	sdelay $0x1  }
0x8a: {  	s1 =	srdreg.scid  }
0x8b: {  	s0 =	sand.u32 $0x1, s1  }
0x8c: {  	s17 =	sshll.u32 s0, $0xA;
	s2 =	sadd.s32 s3, s2  }
0x8d: {  	s2 =	sadd.s32 s2, s17  }
0x8e: {  	[smem:$0x3FC4] =	sst s2  }
0x8f: {  	_ = 	snop  }
0x90: {  	s2 =	sld [smem:$0x3FC9]  }
0x91: {  	s18 =	sld [smem:$0x3FC8]  }
0x92: {  	s4 =	sld [smem:$0x3FC6]  }
0x93: {  	s5 =	sld [smem:$0x3FD0];
	(tm) =	ssettm $0x1  }
0x94: {  	s6 =	sld [smem:$0x3FFB];
	_ =	sdelay $0x3  }
0x95: {  	_ =	strace s6  }
0x96: {  	s6 =	sld [smem:$0x3FFC];
	_ =	sdelay $0x3  }
0x97: {  	_ =	strace s6  }
0x98: {  	s6 =	sld [smem:$0x3FFD];
	_ =	sdelay $0x3  }
0x99: {  	_ =	strace s6  }
0x9a: {  	_ =	strace $0x8FFFFFFF  }
0x9b: {  	s19 =	sld [smem:$0x3FDB];
	_ =	sdelay $0x1  }
0x9c: {  	s7 =	simm.s32 $_scs_section_size  }
0x9d: {  	s8 =	simm.s32 $_size__tile_overlayer_lowered;
	s9 =	simm.s32 $_tile_overlayer_lowered  }
0x9e: {  	s22 =	simm.s32 $0x1BFF;
	s21 =	sshll.u32 s9, $0x1;
	s6 =	sadd.s32 s7, s19  }
0x9f: {  	s10 =	simm.s32 $0x0;
	s20 =	sshll.u32 s8, $0x1;
	s8 =	sadd.s32 s21, s6  }
0xa0: {  	[timem:s10], [sflag:s22] =	dma.local [hbm:s8], s20  }
0xa1: {  	_ =	swait.ge [sflag:s22], s20  }
0xa2: {  	s7 =	ssub.s32 $0x0, s20;
	[sflag:s22] =	ssyncset.done $0x0  }
0xa3: {  	[sflag:s22] =	ssyncadd.s32 s7;
	_ =	sdelay $0x1  }
0xa4: {  	s23 =	simm.s32 $0x1B8B  }
0xa5: {  	_ =	swait.ge [sflag:s23], $0x1  }
0xa6: {  	[sflag:s23] =	ssyncset.done $0x0  }
0xa7: {  	s25 =	simm.s32 $0x1B8E;
	s24 =	sld [smem:$0x3FFE];
	[sflag:s23] =	ssyncadd.s32 $0xFFFFFFFF  }
0xa8: {  	s26 =	simm.s32 $execute0_lowered;
	[smem:$0x3FD2] =	sst s25  }
0xa9: {  	s8 =	sshll.u32 s26, $0x1;
	_ =	strace $0x80000046;
	[dreg:$0x1] =	wrdreg $0xFFFFFFFF  }
0xaa: {  	s28 =	simm.s32 $_size_execute0_lowered;
	s6 =	sadd.s32 s6, s8;
	[dreg:$0x0] =	wrdreg $0x0  }
0xab: {  	s8 =	sshll.u32 s28, $0x1;
	[dreg:$0x2] =	wrdreg s6  }
0xac: {  	[dreg:$0x3] =	wrdreg s8  }
0xad: {  	[dreg:$0x4] =	wrdreg $0xC0  }
0xae: {  	_ =	task [dreg:s10], $0x5FFFF  }
0xaf: {  	[dreg:$0x1] =	wrdreg $0xFFFFFFFF  }
0xb0: {  	[dreg:$0x0] =	wrdreg $0x60  }
0xb1: {  	[dreg:$0x2] =	wrdreg s2  }
0xb2: {  	[dreg:$0x3] =	wrdreg s18  }
0xb3: {  	[dreg:$0x4] =	wrdreg s24  }
0xb4: {  	[dreg:$0x5] =	wrdreg s4  }
0xb5: {  	[dreg:$0x6] =	wrdreg s5  }
0xb6: {  	[dreg:$0x7] =	wrdreg $0x9  }
0xb7: {  	_ =	task.clear_ibuf [dreg:s10], $0x8FFFF;
	_ =	strace $0x90000046  }
0xb8: {  	s29 =	simm.s32 $0x9;
	_ =	strace $0x80000048  }
0xb9: {  	_ =	swait.ge [sflag:s29], $0x1  }
0xba: {  	[sflag:s29] =	ssyncadd.s32 $0xFFFFFFFF  }
0xbb: {  	_ =	strace $0x90000048  }
0xbc: {  	_ =	sfence  }
0xbd: {  	s30 =	sld [smem:$0x0];
	_ =	sdelay $0x2  }
0xbe: {  	s31 =	sshll.u32 s1, $0xD;
	s1 =	sshrl.u32 s1, $0x2  }
0xbf: {  	s3 =	sand.u32 $0x4000, s31;
	s1 =	sadd.s32 s1, s30  }
0xc0: {  	s0 =	sor.u32 s3, s0;
	s1 =	sshll.u32 s1, $0x11  }
0xc1: {  	s0 =	sor.u32 s1, s0  }
0xc2: {  	s0 =	sadd.s32 $0x8F2B, s0  }
0xc3: {  	[sflag:s0] =	ssyncadd.remote.s32 $0x1  }
0xc4: {  	_ =	sfence.sel $0xFFFF  }
0xc5: {  	[dreg:$0x0] =	wrdreg $0xFFFFFFFF;
	(pc) =	sbr.abs _section_cstart, $3  }
0xc6: {  	[dreg:$0x1] =	wrdreg $0xFFFFFFFF  }
0xc7: {  	_ =	task.clear_ibuf [dreg:s10], $0x2FFFF;
	_ =	strace $0x9FFFFFFF  }
0xc8: {  	(tm) =	ssettm $0x7FFFFFFF  }
0xc9: {  	_ =	shalt  }
tec
execute0_lowered:
.L_overlay_start_1:
0x0: {  	(tag) =	ssettag $0x1  }
0x1: {  	s4 =	rddreg [dreg:$0x0];
	s1 =	stileid.u32  }
0x2: {  	s5 =	rddreg [dreg:$0x1];
	p0 =	sgt.u32 s1, $0xC  }
.Ltmp0:
0x3: {  	s7 =	rddreg [dreg:$0x2];
	(pc) =	sbr.rel @p0 .LBB2_7-.Ltmp0, $4  }
0x4: {  	s3 =	rddreg [dreg:$0x3]  }
0x5: {  	s6 =	rddreg [dreg:$0x4];
	s2 =	simm.s32 $0x0  }
0x6: {  	[smem:$0x7FF] =	sst s2  }
0x7: {  	s0 =	rddreg [dreg:$0x5];
	_ =	strace $0x80000047  }
0x8: {  	s8 =	srdreg.scid;
	s9 =	sshll.u32 s1, $0x8  }
0x9: {  	s10 =	sshrl.u32 s1, $0x2;
	s7 =	sadd.s32 $0x400, s7;
	s13 =	simm.s32 $0x6200  }
0xa: {  	s14 =	simm.s32 $0xA200;
	s15 =	simm.s32 $0x3E80;
	s16 =	simm.s32 $0xE200  }
0xb: {  	s17 =	simm.s32 $0x0;
	s8 =	sand.u32 $0x1, s8;
	s9 =	sand.u32 $0x300, s9  }
0xc: {  	s29 =	sshll.u32 s10, $0xD;
	s12 =	sshll.u32 s10, $0x11;
	s11 =	sshll.u32 s8, $0x7  }
0xd: {  	s10 =	smul.u32 $0x1F400, s10;
	s8 =	ssub.s32 $0x2, s8;
	s9 =	sor.u32 s11, s9  }
0xe: {  	s31 =	sshrl.u32 s8, $0x1;
	s11 =	sor.u32 s29, s9;
	s12 =	sor.u32 s12, s9  }
0xf: {  	s9 =	sor.u32 s10, s9;
	s8 =	ssub.s32 s8, s31;
	s10 =	simm.s32 $0x400  }
0x10: {  	s11 =	sshrl.u32 s11, $0x3;
	s30 =	sshrl.u32 s12, $0x3;
	s9 =	sshrl.u32 s9, $0x3  }
0x11: {  	s8 =	smax.u32 s8, $0x1;
	s12 =	simm.s32 $0x5E00;
	s3 =	sadd.s32 s3, s11  }
0x12: {  	s4 =	sadd.s32 s4, s30;
	s5 =	sadd.s32 s5, s30;
	s6 =	sadd.s32 s6, s30  }
0x13: {  	v59 =	vimm.bf16 $0.0e+00;
	s7 =	sadd.s32 s7, s9;
	s9 =	simm.s32 $0x80;
	s11 =	simm.s32 $0x1  }
.LBB2_2:
0x14: {  	[tilespmem:s2], [sflag:$0x1] =	stream.strided.gather [hbm4b:s7+s9], $0x3E80, s10, s9, $0x38;
	[tilespmem:$0x12200] =	vst v63  }
0x15: {  	s20 =	simm.s32 $0x0  }
0x16: {  	_ =	swait.ge [sflag:s11], $0x3E80;
	s18 =	smul.u32 $0x411, s20  }
0x17: {  	[sflag:s11] =	ssyncset.done $0x0  }
0x18: {  	s19 =	sor.u32 $0x1, s20;
	[sflag:s11] =	ssyncadd.s32 $0xFFFFC180;
	s18 =	sshrl.u32 s18, $0x10  }
0x19: {  	[tilespmem:s12], [sflag:$0x1] =	stream.strided.gather [hbm4b:s3+s9], $0x400, s10, s9, $0x38;
	[tilespmem:$0x12200] =	vst v63  }
0x1a: {  	s21 =	sand.u32 $0xFFFF, s19;
	s22 =	ssub.s32 $0x0, s18  }
0x1b: {  	s21 =	smul.u32 $0x411, s21;
	_ =	swait.ge [sflag:s11], $0x400;
	s22 =	sand.u32 $0xFFFE, s22  }
0x1c: {  	[sflag:s11] =	ssyncset.done $0x0;
	s22 =	sshrl.u32 s22, $0x1  }
0x1d: {  	s21 =	sshrl.u32 s21, $0x10;
	[sflag:s11] =	ssyncadd.s32 $0xFFFFFC00;
	s18 =	sadd.s32 s18, s22  }
0x1e: {  	[tilespmem:s13], [sflag:$0x1] =	stream.strided.gather [hbm4b:s4+s9], $0x4000, s10, s9, $0x38;
	[tilespmem:$0x12200] =	vst v63  }
0x1f: {  	s23 =	ssub.s32 s19, s21;
	s18 =	sand.u32 $0xFFE0, s18  }
0x20: {  	s26 =	sand.u32 $0xFFFE, s23;
	s18 =	sshrl.u32 s18, $0x5  }
0x21: {  	s22 =	sshrl.u32 s26, $0x1;
	s29 =	smul.u32 $0x3F, s18  }
0x22: {  	_ =	swait.ge [sflag:s11], $0x4000;
	s21 =	sadd.s32 s21, s22;
	s25 =	smul.u32 $0x1F40, s18  }
0x23: {  	[sflag:s11] =	ssyncset.done $0x0;
	s21 =	sshrl.u32 s21, $0x5;
	s23 =	smul.u32 $0xFA0, s18  }
0x24: {  	[sflag:s11] =	ssyncadd.s32 $0xFFFFC000;
	s24 =	smul.u32 $0x3F, s21  }
0x25: {  	[tilespmem:s14], [sflag:$0x1] =	stream.strided.gather [hbm4b:s5+s9], $0x4000, s10, s9, $0x38;
	[tilespmem:$0x12200] =	vst v63  }
0x26: {  	s26 =	smul.u32 $0x1F40, s21;
	s22 =	ssub.s32 $0x0, s29;
	s25 =	sshrl.u32 s25, $0x2  }
0x27: {  	_ =	swait.ge [sflag:s11], $0x4000;
	s22 =	sshll.u32 s22, $0x4;
	s30 =	ssub.s32 s19, s24  }
0x28: {  	[sflag:s11] =	ssyncset.done $0x0;
	s31 =	sand.u32 $0xFFF0, s22;
	s18 =	sshll.u32 s30, $0x4  }
0x29: {  	[sflag:s11] =	ssyncadd.s32 $0xFFFFC000;
	s24 =	smin.u32 s31, $0x3D8;
	s28 =	sand.u32 $0xFFF0, s18  }
.LBB2_3:
0x2a: {  	s20 =	sadd.s32 $0x2, s20;
	s19 =	smin.u32 s28, $0x3D8  }
0x2b: {  	s18 =	sshrl.u32 s26, $0x2;
	s22 =	smul.u32 $0x411, s20;
	s26 =	sor.u32 $0x1, s20  }
0x2c: {  	s25 =	sadd.s32 s24, s25;
	s18 =	sadd.s32 s19, s18;
	s28 =	sand.u32 $0xFFFF, s26  }
0x2d: {  	s23 =	sshrl.u32 s23, $0x2;
	v1 =	vld [tilespmem:s18+$0x0];
	s29 =	sshrl.u32 s22, $0x10;
	s22 =	smul.u32 $0x411, s28  }
0x2e: {  	s24 =	sadd.s32 s24, s23;
	v2 =	vld [tilespmem:s18+$0x3E8];
	s18 =	ssub.s32 s20, s29  }
0x2f: {  	p0 =	slt.u32 s20, $0x1F6;
	v3 =	vld [tilespmem:s25+$0x0];
	s18 =	sand.u32 $0xFFFE, s18;
	s23 =	sshrl.u32 s22, $0x10  }
0x30: {  	v4 =	vld [tilespmem:s25+$0x3E8];
	s18 =	sshrl.u32 s18, $0x1;
	s25 =	ssub.s32 s26, s23  }
0x31: {  	s22 =	simm.s32 $0x6220;
	s18 =	sadd.s32 s29, s18;
	s25 =	sand.u32 $0xFFFE, s25  }
0x32: {  	s21 =	smul.u32 $0xFA0, s21;
	s28 =	sand.u32 $0xFFE0, s18;
	s25 =	sshrl.u32 s25, $0x1  }
0x33: {  	v1 =	vmul.f32 v1, v1;
	v2 =	vmul.f32 v2, v2;
	s18 =	simm.s32 $0xA220;
	s28 =	sshrl.u32 s28, $0x5;
	s23 =	sadd.s32 s23, s25  }
0x34: {  	v3 =	vmul.f32 v3, v3;
	s25 =	sshrl.u32 s21, $0x2;
	s29 =	smul.u32 $0x3F, s28;
	s21 =	sshrl.u32 s23, $0x5  }
0x35: {  	v4 =	vmul.f32 v4, v4;
	v1 =	vpack.i.f32.bf16 v2, v1;
	s19 =	sadd.s32 s19, s25;
	s25 =	smul.u32 $0x3F, s21  }
.Ltmp1:
0x36: {  	[tilespmem:s19+$0x3E80] =	vst v1;
	s19 =	simm.s32 $0xE220;
	(pc) =	sbr.rel @p0 .LBB2_3-.Ltmp1, $4  }
0x37: {  	s23 =	ssub.s32 s20, s29;
	s29 =	smul.u32 $0x1F40, s28;
	v1 =	vpack.i.f32.bf16 v4, v3  }
0x38: {  	s30 =	sshll.u32 s23, $0x4;
	s23 =	smul.u32 $0xFA0, s28;
	s25 =	ssub.s32 s26, s25;
	[tilespmem:s24+$0x3E80] =	vst v1  }
0x39: {  	s26 =	smul.u32 $0x1F40, s21;
	s24 =	sand.u32 $0xFFF0, s30;
	s28 =	sshll.u32 s25, $0x4  }
0x3a: {  	s25 =	sshrl.u32 s29, $0x2;
	s24 =	smin.u32 s24, $0x3D8;
	s28 =	sand.u32 $0xFFF0, s28  }
0x3b: {  	s20 =	smin.u32 s28, $0x3D8;
	s26 =	sshrl.u32 s26, $0x2;
	s25 =	sadd.s32 s24, s25  }
0x3c: {  	s26 =	sadd.s32 s20, s26;
	v3 =	vld [tilespmem:s25+$0x0]  }
0x3d: {  	v1 =	vld [tilespmem:s26+$0x0]  }
0x3e: {  	v2 =	vld [tilespmem:s26+$0x3E8]  }
0x3f: {  	v4 =	vld [tilespmem:s25+$0x3E8];
	_ =	sdelay $0x2  }
0x40: {  	s21 =	smul.u32 $0xFA0, s21  }
0x41: {  	v1 =	vmul.f32 v1, v1;
	v2 =	vmul.f32 v2, v2  }
0x42: {  	s21 =	sshrl.u32 s21, $0x2;
	v3 =	vmul.f32 v3, v3;
	v4 =	vmul.f32 v4, v4  }
0x43: {  	s23 =	sshrl.u32 s23, $0x2;
	s20 =	sadd.s32 s20, s21;
	v1 =	vpack.i.f32.bf16 v2, v1  }
0x44: {  	s31 =	sadd.s32 s24, s23;
	[tilespmem:s20+$0x3E80] =	vst v1;
	v1 =	vpack.i.f32.bf16 v4, v3  }
0x45: {  	[tilespmem:s31+$0x3E80] =	vst v1  }
0x46: {  	v4 =	vld [tilespmem:s22+$0x10]  }
0x47: {  	v5 =	vld [tilespmem:s18+$0x10]  }
0x48: {  	v3 =	vld [tilespmem:s22+$0xFFFFFFE0]  }
0x49: {  	v8 =	vld [tilespmem:s18+$0xFFFFFFE0]  }
0x4a: {  	v2 =	vld [tilespmem:s22+$0xFFFFFFF0]  }
0x4b: {  	v6 =	vld [tilespmem:s18+$0xFFFFFFF0]  }
0x4c: {  	v1 =	vld [tilespmem:s22+$0x0]  }
0x4d: {  	v7 =	vld [tilespmem:s18+$0x0]  }
0x4e: {  	v12 =	vld.idx.msk [tilespmem:v4+s15+$0x0], $0xffff  }
0x4f: {  	v14 =	vld.idx.msk [tilespmem:v5+s15+$0x0], $0xffff  }
0x50: {  	v25 =	vld.idx.msk [tilespmem:v3+s15+$0x0], $0xffff  }
0x51: {  	v26 =	vld.idx.msk [tilespmem:v8+s15+$0x0], $0xffff  }
0x52: {  	v28 =	vld.idx.msk [tilespmem:v2+s15+$0x0], $0xffff  }
0x53: {  	v9 =	vadd.s32 $0x3E8, v4;
	v30 =	vld.idx.msk [tilespmem:v6+s15+$0x0], $0xffff  }
0x54: {  	v10 =	vadd.s32 $0x3E8, v5;
	v11 =	vadd.s32 $0x7D0, v4;
	v13 =	vadd.s32 $0x7D0, v5;
	v32 =	vld.idx.msk [tilespmem:v4+s12+$0x0], $0xffff  }
0x55: {  	v15 =	vadd.s32 $0xBB8, v4;
	v27 =	vadd.s32 $0x3E8, v3;
	v38 =	vadd.s32 $0x7D0, v3;
	v34 =	vld.idx.msk [tilespmem:v1+s15+$0x0], $0xffff  }
0x56: {  	v44 =	vadd.s32 $0xBB8, v3;
	v48 =	vadd.s32 $0xFA0, v3;
	v60 =	vadd.s32 $0x1388, v3;
	v36 =	vld.idx.msk [tilespmem:v7+s15+$0x0], $0xffff  }
0x57: {  	v52 =	vadd.s32 $0x1770, v3;
	v54 =	vadd.s32 $0x1B58, v3;
	vm0 =	veq.s32 v3, v8;
	v3 =	vld.idx.msk [tilespmem:v3+s12+$0x0], $0xffff  }
0x58: {  	v16 =	vadd.s32 $0xBB8, v5;
	v9 =	vld.idx.msk [tilespmem:v9+s15+$0x0], $0xffff  }
0x59: {  	v17 =	vadd.s32 $0xFA0, v4;
	v10 =	vld.idx.msk [tilespmem:v10+s15+$0x0], $0xffff  }
0x5a: {  	v18 =	vadd.s32 $0xFA0, v5;
	v11 =	vld.idx.msk [tilespmem:v11+s15+$0x0], $0xffff  }
0x5b: {  	v19 =	vadd.s32 $0x1388, v4;
	v13 =	vld.idx.msk [tilespmem:v13+s15+$0x0], $0xffff  }
0x5c: {  	v20 =	vadd.s32 $0x1388, v5;
	v15 =	vld.idx.msk [tilespmem:v15+s15+$0x0], $0xffff  }
0x5d: {  	v21 =	vadd.s32 $0x1770, v4;
	v16 =	vld.idx.msk [tilespmem:v16+s15+$0x0], $0xffff  }
0x5e: {  	v22 =	vadd.s32 $0x1770, v5;
	v17 =	vld.idx.msk [tilespmem:v17+s15+$0x0], $0xffff  }
0x5f: {  	v23 =	vadd.s32 $0x1B58, v4;
	v18 =	vld.idx.msk [tilespmem:v18+s15+$0x0], $0xffff  }
0x60: {  	v24 =	vadd.s32 $0x1B58, v5;
	v19 =	vld.idx.msk [tilespmem:v19+s15+$0x0], $0xffff  }
0x61: {  	v20 =	vld.idx.msk [tilespmem:v20+s15+$0x0], $0xffff  }
0x62: {  	v29 =	vadd.s32 $0x3E8, v8;
	v21 =	vld.idx.msk [tilespmem:v21+s15+$0x0], $0xffff  }
0x63: {  	v31 =	vadd.s32 $0x3E8, v2;
	v22 =	vld.idx.msk [tilespmem:v22+s15+$0x0], $0xffff  }
0x64: {  	v33 =	vadd.s32 $0x3E8, v6;
	v23 =	vld.idx.msk [tilespmem:v23+s15+$0x0], $0xffff  }
0x65: {  	v35 =	vadd.s32 $0x3E8, v1;
	v24 =	vld.idx.msk [tilespmem:v24+s15+$0x0], $0xffff  }
0x66: {  	v37 =	vadd.s32 $0x3E8, v7;
	v27 =	vld.idx.msk [tilespmem:v27+s15+$0x0], $0xffff  }
0x67: {  	v29 =	vld.idx.msk [tilespmem:v29+s15+$0x0], $0xffff  }
0x68: {  	v39 =	vadd.s32 $0x7D0, v8;
	v31 =	vld.idx.msk [tilespmem:v31+s15+$0x0], $0xffff  }
0x69: {  	v40 =	vadd.s32 $0x7D0, v2;
	v33 =	vld.idx.msk [tilespmem:v33+s15+$0x0], $0xffff  }
0x6a: {  	v42 =	vadd.s32 $0x7D0, v1;
	v35 =	vld.idx.msk [tilespmem:v35+s15+$0x0], $0xffff  }
0x6b: {  	v37 =	vld.idx.msk [tilespmem:v37+s15+$0x0], $0xffff  }
0x6c: {  	v47 =	vadd.s32 $0xBB8, v1;
	v38 =	vld.idx.msk [tilespmem:v38+s15+$0x0], $0xffff  }
0x6d: {  	v39 =	vld.idx.msk [tilespmem:v39+s15+$0x0], $0xffff  }
0x6e: {  	v49 =	vadd.s32 $0xFA0, v1;
	v40 =	vld.idx.msk [tilespmem:v40+s15+$0x0], $0xffff  }
0x6f: {  	v42 =	vld.idx.msk [tilespmem:v42+s15+$0x0], $0xffff  }
0x70: {  	v41 =	vadd.s32 $0x7D0, v6;
	v44 =	vld.idx.msk [tilespmem:v44+s15+$0x0], $0xffff  }
0x71: {  	v47 =	vld.idx.msk [tilespmem:v47+s15+$0x0], $0xffff  }
0x72: {  	v51 =	vadd.s32 $0x1388, v6;
	v48 =	vld.idx.msk [tilespmem:v48+s15+$0x0], $0xffff;
	v12 =	vmul.bf16 v14, v12  }
0x73: {  	v43 =	vadd.s32 $0x7D0, v7;
	v45 =	vadd.s32 $0xBB8, v8;
	v46 =	vadd.s32 $0xBB8, v2;
	v49 =	vld.idx.msk [tilespmem:v49+s15+$0x0], $0xffff  }
0x74: {  	v56 =	vadd.s32 $0xBB8, v6;
	v52 =	vld.idx.msk [tilespmem:v52+s15+$0x0], $0xffff;
	v12 =	vadd.bf16 v59, v12;
	v9 =	vmul.bf16 v10, v9  }
0x75: {  	v57 =	vadd.s32 $0xBB8, v7;
	v58 =	vadd.s32 $0xFA0, v2;
	v61 =	vadd.s32 $0x1388, v8;
	v14 =	vld.idx.msk [tilespmem:v41+s15+$0x0], $0xffff  }
0x76: {  	v50 =	vadd.s32 $0x1388, v2;
	v41 =	vld.idx.msk [tilespmem:v60+s15+$0x0], $0xffff;
	v11 =	vmul.bf16 v13, v11;
	v9 =	vadd.bf16 v9, v12  }
0x77: {  	v53 =	vadd.s32 $0x1770, v8;
	v55 =	vadd.s32 $0x1770, v1;
	v62 =	vmul.bf16 v30, v28;
	v30 =	vld.idx.msk [tilespmem:v51+s15+$0x0], $0xffff  }
0x78: {  	v10 =	vld.idx.msk [tilespmem:v43+s15+$0x0], $0xffff;
	v13 =	vadd.s32 $0xFA0, v8;
	v9 =	vadd.bf16 v11, v9;
	v11 =	vmul.bf16 v16, v15  }
0x79: {  	vm1 =	veq.s32 v2, v6;
	vm3 =	veq.s32 v1, v7;
	v25 =	vmul.bf16 v26, v25;
	v12 =	vld.idx.msk [tilespmem:v45+s15+$0x0], $0xffff  }
0x7a: {  	v45 =	vld.idx.msk [tilespmem:v46+s15+$0x0], $0xffff;
	v16 =	vadd.s32 $0xFA0, v6;
	v9 =	vadd.bf16 v11, v9;
	v11 =	vmul.bf16 v18, v17  }
0x7b: {  	vm2 =	veq.s32 v4, v5;
	v43 =	vadd.s32 $0x1B58, v7;
	v46 =	vld.idx.msk [tilespmem:v58+s15+$0x0], $0xffff;
	v18 =	vadd.s32 $0xFA0, v7  }
0x7c: {  	v25 =	vadd.bf16 v59, v25;
	v15 =	vld.idx.msk [tilespmem:v56+s15+$0x0], $0xffff;
	v9 =	vadd.bf16 v11, v9;
	v11 =	vmul.bf16 v20, v19  }
0x7d: {  	v26 =	vadd.bf16 v59, v62;
	v51 =	vmul.bf16 v33, v31;
	v13 =	vld.idx.msk [tilespmem:v13+s15+$0x0], $0xffff;
	v19 =	vadd.s32 $0x1388, v1  }
0x7e: {  	v17 =	vld.idx.msk [tilespmem:v57+s15+$0x0], $0xffff;
	v20 =	vadd.s32 $0x1388, v7;
	v9 =	vadd.bf16 v11, v9;
	v11 =	vmul.bf16 v22, v21  }
0x7f: {  	v60 =	vmul.bf16 v37, v35;
	v58 =	vadd.s32 $0x1B58, v1;
	v62 =	vadd.bf16 v51, v26;
	v16 =	vld.idx.msk [tilespmem:v16+s15+$0x0], $0xffff  }
0x80: {  	v14 =	vmul.bf16 v14, v40;
	v18 =	vld.idx.msk [tilespmem:v18+s15+$0x0], $0xffff;
	v9 =	vadd.bf16 v11, v9;
	v11 =	vmul.bf16 v24, v23  }
0x81: {  	v57 =	vadd.s32 $0x1B58, v6;
	v21 =	vadd.s32 $0x1770, v2;
	v24 =	vadd.s32 $0x1B58, v8;
	v8 =	vld.idx.msk [tilespmem:v50+s15+$0x0], $0xffff  }
0x82: {  	v22 =	vadd.s32 $0x1770, v6;
	v6 =	vmul.bf16 v36, v34;
	v19 =	vld.idx.msk [tilespmem:v19+s15+$0x0], $0xffff;
	v9 =	vadd.bf16 v11, v9  }
0x83: {  	v56 =	vadd.s32 $0x1B58, v2;
	v23 =	vadd.s32 $0x1770, v7;
	v7 =	vmul.bf16 v29, v27;
	v20 =	vld.idx.msk [tilespmem:v20+s15+$0x0], $0xffff  }
0x84: {  	v6 =	vadd.bf16 v59, v6;
	v11 =	vld.idx.msk [tilespmem:v61+s15+$0x0], $0xffff;
	v63 =	vunpack.i.u.bf16.f32 v9;
	v9 =	vunpack.i.l.bf16.f32 v9  }
0x85: {  	v61 =	vld.idx.msk [tilespmem:v53+s15+$0x0], $0xffff;
	v7 =	vadd.bf16 v7, v25;
	v9 =	vadd.f32 v9, v63;
	v63 =	vmul.bf16 v39, v38  }
0x86: {  	v10 =	vmul.bf16 v10, v42;
	v50 =	vmul.f32 v32, v32;
	v6 =	vadd.bf16 v60, v6;
	v21 =	vld.idx.msk [tilespmem:v21+s15+$0x0], $0xffff  }
0x87: {  	v5 =	vmul.bf16 v12, v44;
	v12 =	vadd.bf16 v14, v62;
	v22 =	vld.idx.msk [tilespmem:v22+s15+$0x0], $0xffff;
	v4 =	vadd.bf16 v63, v7  }
0x88: {  	v6 =	vadd.bf16 v10, v6;
	v10 =	vmul.bf16 v15, v45;
	v15 =	vld.idx.msk [tilespmem:v54+s15+$0x0], $0xffff;
	v28 =	vadd.f32 v50, v9  }
0x89: {  	v13 =	vmul.bf16 v13, v48;
	v14 =	vld.idx.msk [tilespmem:v23+s15+$0x0], $0xffff;
	v4 =	vadd.bf16 v5, v4;
	v5 =	vmul.bf16 v17, v47  }
0x8a: {  	v7 =	vld.idx.msk [tilespmem:v55+s15+$0x0], $0xffff;
	v17 =	vsel vm2, v28, v9;
	v9 =	vadd.bf16 v10, v12;
	v10 =	vmul.bf16 v16, v46  }
0x8b: {  	v12 =	vld.idx.msk [tilespmem:v24+s15+$0x0], $0xffff;
	v5 =	vadd.bf16 v5, v6;
	v4 =	vadd.bf16 v13, v4;
	v13 =	vmul.bf16 v18, v49  }
0x8c: {  	v11 =	vmul.bf16 v11, v41;
	v16 =	vmul.bf16 v30, v8;
	v8 =	vld.idx.msk [tilespmem:v58+s15+$0x0], $0xffff;
	v10 =	vadd.bf16 v10, v9  }
0x8d: {  	vm0 =	vmmov vm0;
	v6 =	vld.idx.msk [tilespmem:v56+s15+$0x0], $0xffff;
	v5 =	vadd.bf16 v13, v5;
	v13 =	vmul.bf16 v20, v19  }
0x8e: {  	v9 =	vld.idx.msk [tilespmem:v57+s15+$0x0], $0xffff;
	v4 =	vadd.bf16 v11, v4;
	v11 =	vadd.bf16 v16, v10;
	v16 =	vmul.bf16 v61, v52  }
0x8f: {  	v7 =	vmul.bf16 v14, v7;
	v10 =	vld.idx.msk [tilespmem:v43+s15+$0x0], $0xffff;
	v0 =	vadd.bf16 v13, v5;
	v13 =	vmul.bf16 v22, v21  }
0x90: {  	vm2 =	vmmov vm1;
	vm1 =	vmmov vm3;
	[tilespmem:s19+$0x10] =	vst v17;
	v19 =	vld.idx.msk [tilespmem:v2+s12+$0x0], $0xffff;
	v14 =	vadd.bf16 v16, v4  }
0x91: {  	s21 =	simm.s32 $0x0;
	s20 =	simm.s32 $0xE220;
	s22 =	simm.s32 $0x6260;
	v12 =	vmul.bf16 v12, v15;
	v13 =	vadd.bf16 v13, v11;
	v11 =	vadd.bf16 v7, v0;
	v7 =	vld.idx.msk [tilespmem:v1+s12+$0x0], $0xffff  }
.LBB2_5:
0x92: {  	v4 =	vld [tilespmem:s22+$0x10];
	s18 =	sadd.s32 $0x40, s18  }
0x93: {  	v33 =	vld [tilespmem:s18+$0xFFFFFFE0]  }
0x94: {  	v2 =	vadd.bf16 v12, v14;
	v16 =	vld [tilespmem:s18+$0xFFFFFFF0];
	v1 =	vmul.bf16 v9, v6  }
0x95: {  	v44 =	vld [tilespmem:s18+$0x0]  }
0x96: {  	v6 =	vld [tilespmem:s18+$0x10];
	v9 =	vunpack.i.u.bf16.f32 v2;
	v8 =	vmul.bf16 v10, v8;
	v12 =	vadd.bf16 v1, v13  }
0x97: {  	v10 =	vunpack.i.l.bf16.f32 v2;
	v48 =	vmul.f32 v3, v3;
	v2 =	vld [tilespmem:s22+$0x0];
	v23 =	vadd.s32 $0xBB8, v4  }
0x98: {  	v26 =	vadd.s32 $0xFA0, v4;
	v1 =	vld [tilespmem:s22+$0xFFFFFFF0];
	v3 =	vunpack.i.u.bf16.f32 v12;
	v12 =	vunpack.i.l.bf16.f32 v12  }
0x99: {  	v15 =	vadd.f32 v10, v9;
	v10 =	vadd.f32 v12, v3;
	v3 =	vld [tilespmem:s22+$0xFFFFFFE0]  }
0x9a: {  	v11 =	vadd.bf16 v8, v11;
	v13 =	vadd.s32 $0x3E8, v4;
	v12 =	vld.idx.msk [tilespmem:v4+s15+$0x0], $0xffff  }
0x9b: {  	v9 =	vadd.s32 $0x3E8, v6;
	v62 =	vld.idx.msk [tilespmem:v33+s15+$0x0], $0xffff  }
0x9c: {  	v49 =	vunpack.i.u.bf16.f32 v11;
	v50 =	vunpack.i.l.bf16.f32 v11;
	v11 =	vadd.s32 $0x7D0, v4;
	v23 =	vld.idx.msk [tilespmem:v23+s15+$0x0], $0xffff  }
0x9d: {  	v14 =	vadd.s32 $0x7D0, v6;
	v26 =	vld.idx.msk [tilespmem:v26+s15+$0x0], $0xffff  }
0x9e: {  	v29 =	vadd.s32 $0x1388, v4;
	v22 =	vld.idx.msk [tilespmem:v6+s15+$0x0], $0xffff  }
0x9f: {  	v24 =	vadd.s32 $0xBB8, v6;
	v13 =	vld.idx.msk [tilespmem:v13+s15+$0x0], $0xffff  }
0xa0: {  	v32 =	vadd.s32 $0x1770, v4;
	v9 =	vld.idx.msk [tilespmem:v9+s15+$0x0], $0xffff  }
0xa1: {  	v28 =	vadd.s32 $0xFA0, v6;
	v11 =	vld.idx.msk [tilespmem:v11+s15+$0x0], $0xffff  }
0xa2: {  	v39 =	vadd.s32 $0x1B58, v6;
	v14 =	vld.idx.msk [tilespmem:v14+s15+$0x0], $0xffff  }
0xa3: {  	v30 =	vadd.s32 $0x1388, v6;
	v29 =	vld.idx.msk [tilespmem:v29+s15+$0x0], $0xffff;
	v12 =	vmul.bf16 v22, v12  }
0xa4: {  	v24 =	vld.idx.msk [tilespmem:v24+s15+$0x0], $0xffff  }
0xa5: {  	v35 =	vadd.s32 $0x1770, v6;
	v58 =	vld.idx.msk [tilespmem:v32+s15+$0x0], $0xffff;
	v12 =	vadd.bf16 v59, v12;
	v9 =	vmul.bf16 v9, v13  }
0xa6: {  	v61 =	vadd.s32 $0x1B58, v4;
	v13 =	vld.idx.msk [tilespmem:v28+s15+$0x0], $0xffff  }
0xa7: {  	v60 =	vld.idx.msk [tilespmem:v39+s15+$0x0], $0xffff;
	v11 =	vmul.bf16 v14, v11;
	v9 =	vadd.bf16 v9, v12  }
0xa8: {  	v12 =	vld.idx.msk [tilespmem:v30+s15+$0x0], $0xffff  }
0xa9: {  	v0 =	vadd.s32 $0x7D0, v1;
	v63 =	vld.idx.msk [tilespmem:v1+s15+$0x0], $0xffff;
	v9 =	vadd.bf16 v11, v9;
	v11 =	vmul.bf16 v24, v23  }
0xaa: {  	[tilespmem:$0x1FFC0] =	vst v0;
	v0 =	vadd.s32 $0x7D0, v16;
	v24 =	vld.idx.msk [tilespmem:v35+s15+$0x0], $0xffff  }
0xab: {  	[tilespmem:$0x1FFD0] =	vst v0;
	v0 =	vadd.s32 $0x7D0, v2;
	v59 =	vld.idx.msk [tilespmem:v61+s15+$0x0], $0xffff;
	v9 =	vadd.bf16 v11, v9;
	v11 =	vmul.bf16 v13, v26  }
0xac: {  	[tilespmem:$0x1FFE0] =	vst v0;
	v0 =	vadd.s32 $0x7D0, v44;
	v56 =	vadd.s32 $0x3E8, v3;
	v61 =	vld.idx.msk [tilespmem:v3+s15+$0x0], $0xffff  }
0xad: {  	v55 =	vadd.s32 $0x3E8, v44;
	[tilespmem:$0x1FFF0] =	vst v0;
	v0 =	vld.idx.msk [tilespmem:v16+s15+$0x0], $0xffff;
	v12 =	vmul.bf16 v12, v29;
	v11 =	vadd.bf16 v11, v9  }
0xae: {  	v19 =	vmul.f32 v19, v19;
	v7 =	vmul.f32 v7, v7;
	v53 =	vadd.s32 $0x3E8, v16  }
0xaf: {  	v51 =	vadd.s32 $0x3E8, v33;
	v17 =	vld.idx.msk [tilespmem:v4+s12+$0x0], $0xffff;
	v5 =	vmul.bf16 v24, v58;
	v11 =	vadd.bf16 v12, v11  }
0xb0: {  	v21 =	vadd.s32 $0x7D0, v33;
	v8 =	vimm.bf16 $0.0e+00;
	v52 =	vadd.s32 $0x3E8, v1;
	v18 =	vld.idx.msk [tilespmem:v2+s15+$0x0], $0xffff  }
0xb1: {  	v56 =	vld.idx.msk [tilespmem:v56+s15+$0x0], $0xffff;
	v62 =	vmul.bf16 v62, v61;
	v5 =	vadd.bf16 v5, v11;
	v11 =	vmul.bf16 v60, v59  }
0xb2: {  	v49 =	vadd.f32 v50, v49;
	v57 =	vadd.s32 $0x7D0, v3;
	v0 =	vmul.bf16 v0, v63;
	v63 =	vld.idx.msk [tilespmem:v55+s15+$0x0], $0xffff  }
0xb3: {  	v25 =	vadd.s32 $0xBB8, v33;
	v50 =	vadd.bf16 v8, v62;
	v62 =	vld.idx.msk [tilespmem:v53+s15+$0x0], $0xffff;
	v5 =	vadd.bf16 v11, v5  }
0xb4: {  	v20 =	vadd.s32 $0xBB8, v16;
	v54 =	vadd.s32 $0x3E8, v2;
	v11 =	vadd.f32 v48, v15;
	v48 =	vld.idx.msk [tilespmem:v51+s15+$0x0], $0xffff  }
0xb5: {  	v0 =	vadd.bf16 v8, v0;
	v8 =	vld.idx.msk [tilespmem:v21+s15+$0x0], $0xffff;
	v61 =	vunpack.i.u.bf16.f32 v5;
	v5 =	vunpack.i.l.bf16.f32 v5  }
0xb6: {  	v19 =	vadd.f32 v19, v10;
	v17 =	vmul.f32 v17, v17;
	v60 =	vld.idx.msk [tilespmem:v52+s15+$0x0], $0xffff;
	v5 =	vadd.f32 v5, v61  }
0xb7: {  	v42 =	vadd.s32 $0xFA0, v16;
	v7 =	vadd.f32 v7, v49;
	v11 =	vsel vm0, v11, v15;
	v15 =	vld.idx.msk [tilespmem:v57+s15+$0x0], $0xffff  }
0xb8: {  	vm0 =	veq.s32 v4, v6;
	v4 =	vsel vm2, v19, v10;
	v10 =	vld [tilespmem:$0x1FFC0];
	v17 =	vadd.f32 v17, v5  }
0xb9: {  	v36 =	vadd.s32 $0x1388, v16;
	v6 =	vsel vm1, v7, v49;
	[tilespmem:s20+$0xFFFFFFE0] =	vst v11;
	v11 =	vld [tilespmem:$0x1FFE0];
	v7 =	vmul.bf16 v48, v56  }
0xba: {  	s19 =	sadd.s32 $0x40, s19;
	vm4 =	veq.s32 v1, v16;
	v23 =	vadd.s32 $0x1770, v16;
	v5 =	vsel vm0, v17, v5;
	v17 =	vld [tilespmem:$0x1FFD0]  }
0xbb: {  	v13 =	vadd.s32 $0x1B58, v16;
	v16 =	vld.idx.msk [tilespmem:v54+s15+$0x0], $0xffff;
	[tilespmem:s19+$0x10] =	vst v5;
	v5 =	vadd.bf16 v7, v50;
	v7 =	vmul.bf16 v62, v60  }
0xbc: {  	v31 =	vadd.s32 $0xBB8, v1;
	v34 =	vadd.s32 $0xBB8, v3;
	v59 =	vld.idx.msk [tilespmem:v44+s15+$0x0], $0xffff  }
0xbd: {  	v40 =	vadd.s32 $0x1770, v3;
	vm3 =	veq.s32 v3, v33;
	v0 =	vadd.bf16 v7, v0;
	v7 =	vld [tilespmem:$0x1FFF0]  }
0xbe: {  	v22 =	vadd.s32 $0xFA0, v3;
	v30 =	vadd.s32 $0x1388, v3;
	v9 =	vadd.s32 $0x1B58, v3;
	v3 =	vld.idx.msk [tilespmem:v3+s12+$0x0], $0xffff  }
0xbf: {  	v8 =	vmul.bf16 v8, v15;
	v15 =	vld.idx.msk [tilespmem:v25+s15+$0x0], $0xffff  }
0xc0: {  	v10 =	vld.idx.msk [tilespmem:v10+s15+$0x0], $0xffff  }
0xc1: {  	v11 =	vld.idx.msk [tilespmem:v11+s15+$0x0], $0xffff  }
0xc2: {  	v17 =	vld.idx.msk [tilespmem:v17+s15+$0x0], $0xffff;
	[tilespmem:s20+$0xFFFFFFF0] =	vst v4  }
0xc3: {  	v27 =	vadd.s32 $0xBB8, v2;
	v4 =	vmul.bf16 v63, v16;
	v16 =	vld.idx.msk [tilespmem:v31+s15+$0x0], $0xffff  }
0xc4: {  	v37 =	vadd.s32 $0xBB8, v44;
	v19 =	vld.idx.msk [tilespmem:v1+s12+$0x0], $0xffff  }
0xc5: {  	v7 =	vld.idx.msk [tilespmem:v7+s15+$0x0], $0xffff  }
0xc6: {  	v46 =	vadd.s32 $0xFA0, v33;
	v41 =	vadd.s32 $0xFA0, v1;
	v18 =	vmul.bf16 v59, v18;
	[tilespmem:s20+$0x0] =	vst v6;
	v6 =	vld.idx.msk [tilespmem:v34+s15+$0x0], $0xffff  }
0xc7: {  	v59 =	vimm.bf16 $0.0e+00;
	v5 =	vadd.bf16 v8, v5;
	v8 =	vmul.bf16 v17, v10;
	v10 =	vld.idx.msk [tilespmem:v20+s15+$0x0], $0xffff  }
0xc8: {  	v18 =	vadd.bf16 v59, v18;
	v17 =	vld.idx.msk [tilespmem:v27+s15+$0x0], $0xffff  }
0xc9: {  	v47 =	vadd.s32 $0xFA0, v2;
	v0 =	vadd.bf16 v8, v0;
	v8 =	vld.idx.msk [tilespmem:v37+s15+$0x0], $0xffff  }
0xca: {  	v45 =	vadd.s32 $0xFA0, v44;
	v4 =	vadd.bf16 v4, v18;
	v7 =	vmul.bf16 v7, v11;
	v11 =	vld.idx.msk [tilespmem:v22+s15+$0x0], $0xffff  }
0xcb: {  	v6 =	vmul.bf16 v15, v6;
	v15 =	vld.idx.msk [tilespmem:v46+s15+$0x0], $0xffff  }
0xcc: {  	v38 =	vadd.s32 $0x1388, v33;
	v4 =	vadd.bf16 v7, v4;
	v7 =	vld.idx.msk [tilespmem:v41+s15+$0x0], $0xffff  }
0xcd: {  	v43 =	vadd.s32 $0x1388, v1;
	v5 =	vadd.bf16 v6, v5;
	v6 =	vmul.bf16 v10, v16;
	v10 =	vld.idx.msk [tilespmem:v42+s15+$0x0], $0xffff  }
0xce: {  	v16 =	vld.idx.msk [tilespmem:v47+s15+$0x0], $0xffff  }
0xcf: {  	v32 =	vadd.s32 $0x1388, v2;
	v0 =	vadd.bf16 v6, v0;
	v6 =	vmul.bf16 v8, v17;
	v8 =	vld.idx.msk [tilespmem:v45+s15+$0x0], $0xffff  }
0xd0: {  	v28 =	vadd.s32 $0x1388, v44;
	v17 =	vld.idx.msk [tilespmem:v30+s15+$0x0], $0xffff  }
0xd1: {  	v11 =	vmul.bf16 v15, v11;
	v15 =	vld.idx.msk [tilespmem:v38+s15+$0x0], $0xffff  }
0xd2: {  	v35 =	vadd.s32 $0x1770, v33;
	v4 =	vadd.bf16 v6, v4;
	v6 =	vld.idx.msk [tilespmem:v43+s15+$0x0], $0xffff  }
0xd3: {  	v26 =	vadd.s32 $0x1770, v1;
	v7 =	vmul.bf16 v10, v7;
	v10 =	vld.idx.msk [tilespmem:v36+s15+$0x0], $0xffff  }
0xd4: {  	v5 =	vadd.bf16 v11, v5;
	v11 =	vld.idx.msk [tilespmem:v32+s15+$0x0], $0xffff  }
0xd5: {  	v39 =	vadd.s32 $0x1770, v2;
	v0 =	vadd.bf16 v7, v0;
	v7 =	vmul.bf16 v8, v16;
	v8 =	vld.idx.msk [tilespmem:v28+s15+$0x0], $0xffff  }
0xd6: {  	v29 =	vadd.s32 $0x1770, v44;
	v16 =	vld.idx.msk [tilespmem:v40+s15+$0x0], $0xffff  }
0xd7: {  	v15 =	vmul.bf16 v15, v17;
	v17 =	vld.idx.msk [tilespmem:v35+s15+$0x0], $0xffff  }
0xd8: {  	v14 =	vadd.s32 $0x1B58, v33;
	v4 =	vadd.bf16 v7, v4;
	v7 =	vld.idx.msk [tilespmem:v26+s15+$0x0], $0xffff  }
0xd9: {  	v6 =	vmul.bf16 v10, v6;
	v10 =	vld.idx.msk [tilespmem:v23+s15+$0x0], $0xffff  }
0xda: {  	v24 =	vadd.s32 $0x1B58, v1;
	v5 =	vadd.bf16 v15, v5;
	v15 =	vld.idx.msk [tilespmem:v39+s15+$0x0], $0xffff  }
0xdb: {  	v58 =	vadd.s32 $0x1B58, v2;
	v0 =	vadd.bf16 v6, v0;
	v6 =	vmul.bf16 v8, v11;
	v11 =	vld.idx.msk [tilespmem:v29+s15+$0x0], $0xffff  }
0xdc: {  	s21 =	sadd.s32 $0x4, s21;
	v12 =	vadd.s32 $0x1B58, v44;
	v18 =	vld.idx.msk [tilespmem:v9+s15+$0x0], $0xffff;
	v8 =	vmul.bf16 v17, v16  }
0xdd: {  	p0 =	slt.u32 s21, $0x3FC;
	v16 =	vld.idx.msk [tilespmem:v14+s15+$0x0], $0xffff  }
.Ltmp2:
0xde: {  	v9 =	vld.idx.msk [tilespmem:v13+s15+$0x0], $0xffff;
	v14 =	vadd.bf16 v8, v5;
	v5 =	vmul.bf16 v10, v7;
	(pc) =	sbr.rel @p0 .LBB2_5-.Ltmp2, $4  }
0xdf: {  	v4 =	vadd.bf16 v6, v4;
	v6 =	vld.idx.msk [tilespmem:v24+s15+$0x0], $0xffff  }
0xe0: {  	vm5 =	veq.s32 v2, v44;
	v8 =	vld.idx.msk [tilespmem:v58+s15+$0x0], $0xffff;
	v13 =	vadd.bf16 v5, v0;
	v0 =	vmul.bf16 v11, v15  }
0xe1: {  	vm2 =	vmmov vm4;
	vm1 =	vmmov vm5;
	v10 =	vld.idx.msk [tilespmem:v12+s15+$0x0], $0xffff  }
0xe2: {  	s22 =	sadd.s32 $0x40, s22;
	vm0 =	vmmov vm3;
	s20 =	smov.u32 s19;
	v7 =	vld.idx.msk [tilespmem:v2+s12+$0x0], $0xffff;
	v12 =	vmul.bf16 v16, v18;
	v11 =	vadd.bf16 v0, v4  }
0xe3: {  	_ =	sdelay $0x1  }
0xe4: {  	v0 =	vmul.bf16 v9, v6  }
0xe5: {  	v1 =	vadd.bf16 v12, v14;
	v2 =	vmul.bf16 v10, v8  }
0xe6: {  	v3 =	vmul.f32 v3, v3;
	v61 =	vmul.f32 v19, v19;
	v0 =	vadd.bf16 v0, v13  }
0xe7: {  	v4 =	vunpack.i.u.bf16.f32 v1;
	v1 =	vunpack.i.l.bf16.f32 v1;
	v2 =	vadd.bf16 v2, v11  }
0xe8: {  	v1 =	vadd.f32 v1, v4;
	v5 =	vunpack.i.u.bf16.f32 v0;
	v0 =	vunpack.i.l.bf16.f32 v0  }
0xe9: {  	v0 =	vadd.f32 v0, v5;
	v60 =	vunpack.i.u.bf16.f32 v2;
	v2 =	vunpack.i.l.bf16.f32 v2  }
0xea: {  	v62 =	vmul.f32 v7, v7;
	v3 =	vadd.f32 v3, v1;
	v2 =	vadd.f32 v2, v60  }
0xeb: {  	v5 =	vadd.f32 v61, v0  }
0xec: {  	v1 =	vsel vm0, v3, v1;
	v4 =	vadd.f32 v62, v2  }
0xed: {  	s17 =	sadd.s32 $0x1, s17;
	[tilespmem:s20+$0xFFFFFFE0] =	vst v1;
	v0 =	vsel vm2, v5, v0  }
0xee: {  	p0 =	sne.s32 s17, s8;
	[tilespmem:s20+$0xFFFFFFF0] =	vst v0;
	v63 =	vsel vm1, v4, v2  }
.Ltmp3:
0xef: {  	[tilespmem:s20+$0x0] =	vst v63;
	(pc) =	sbr.rel @p0 .LBB2_2-.Ltmp3, $4  }
0xf0: {  	[hbm4b:s6+s9] =	stream.strided.scatter [tilespmem:s16], [sflag:$0x1], $0x4000, s10, s9, $0x38;
	[tilespmem:$0x12200] =	vst v63  }
0xf1: {  	_ =	swait.ge [sflag:s11], $0x4000  }
0xf2: {  	[sflag:s11] =	ssyncset.done $0x0  }
0xf3: {  	[sflag:s11] =	ssyncadd.s32 $0xFFFFC000  }
.LBB2_7:
0xf4: {  	_ =	sfence.sel $0x180000  }
0xf5: {  	[bflag:$0x0] =	sbarrier.arrive $0xFFFF  }
0xf6: {  	p0 =	sne.s32 s1, $0x0;
	_ =	strace $0x90000047  }
0xf7: {  	s0 =	sadd.s32 @!p0 $0x100000, s0;
	[bflag:$0x2] =	sbarrier.arrive $0xFFFF  }
0xf8: {  	[sflag:s0] =	ssyncadd.tile.s32 @!p0 $0x1;
	_ =	shalt  }
.Lfunc_end2:
_tile_overlayer_lowered:
.L_overlay_start_2:
0xf9: {  	(tag) =	ssettag $0x2  }
0xfa: {  	s0 =	rddreg [dreg:$0x0];
	s2 =	stileid.u32  }
0xfb: {  	s1 =	rddreg [dreg:$0x1];
	p0 =	sne.s32 s2, $0x0  }
0xfc: {  	s3 =	rddreg [dreg:$0x2];
	[bflag:$0x3] =	sbarrier.arrive $0xFFFF;
	s2 =	simm.s32 @!p0 $0x1C01  }
0xfd: {  	[timem:s3], [sflag:s2] =	dma.local @!p0 [hbm:s0], s1  }
0xfe: {  	s0 =	simm.s32 @!p0 $0x1  }
0xff: {  	_ =	swait.ge @!p0 [sflag:s0], s1  }
0x100: {  	s1 =	ssub.s32 @!p0 $0x0, s1;
	[sflag:s0] =	ssyncset.done @!p0 $0x0  }
0x101: {  	[sflag:s0] =	ssyncadd.s32 @!p0 s1  }
0x102: {  	[bflag:$0x3] =	sbarrier.arrive $0xFFFF  }
0x103: {  	_ =	shalt  }

</sc_bundles>
